<compile_context>
chip_gen: v7x
topology: tpu7x:2x2x1
jax: 0.10.2.dev20260603
libtpu: 0.0.44.dev20260713+nightly
codegen_flags: <defaults>
</compile_context>

<pallas_src>
import functools

import jax
import jax.numpy as jnp
from jax import lax
from jax.experimental import pallas as pl
from jax.experimental.pallas import tpu as pltpu
from jax.experimental.pallas import tpu_sc as plsc

_DIM = 64
_NC, _NS = 2, 16
_CHUNK = 128
_H = 596096


def _skipgram_body(V, B, K, bpt,
                   ttT, ctT, tgt_hbm, ctx_hbm, out_hbm,
                   buf_loA, buf_loB, buf_hi, orig_t, orig_c,
                   tidx_v, tpos_v, cidx_v, cpos_v,
                   tvals_v, cvals_v, acc_v,
                   sem0, sem1, sem2, sem3, sem_g):
    core = lax.axis_index("c")
    sid = lax.axis_index("s")
    dpc = _DIM // _NC
    d0 = core * dpc
    b0 = sid * bpt
    sems = [sem0, sem1, sem2, sem3]
    nct = bpt
    ncc = K * bpt

    pltpu.sync_copy(tgt_hbm.at[pl.ds(b0, bpt)], orig_t)
    for k in range(K):
        pltpu.sync_copy(ctx_hbm.at[pl.ds(k * B + b0, bpt)],
                        orig_c.at[pl.ds(k * bpt, bpt)])
    glist_v = orig_c

    def prefill(buf, size, val):
        def b_(i, _):
            buf[pl.ds(i * 16, 16)] = jnp.full((16,), val, jnp.int32)
            return 0
        lax.fori_loop(0, size // 16, b_, 0)

    prefill(tidx_v, tidx_v.shape[0], 0)
    prefill(cidx_v, cidx_v.shape[0], 0)
    prefill(tpos_v, tpos_v.shape[0], nct)
    prefill(cpos_v, cpos_v.shape[0], ncc)

    def bin_list(orig, n, idxb, posb, cast=False):
        def load(i):
            v = orig[pl.ds(i * 16, 16)]
            return plsc.bitcast(v, jnp.int32) if cast else v

        def count_body(i, acc):
            v = load(i)
            return acc + jnp.sum((v < _H).astype(jnp.int32))
        nlo = lax.fori_loop(0, n // 16, count_body, 0)
        hi0 = ((nlo + _CHUNK - 1) // _CHUNK) * _CHUNK

        def fill_body(i, cur):
            clo, chi = cur
            v = load(i)
            m = v < _H
            nm = jnp.logical_not(m)
            pos = i * 16 + lax.iota(jnp.int32, 16)
            plsc.store_compressed(idxb.at[pl.ds(clo, 16)], v, mask=m)
            plsc.store_compressed(posb.at[pl.ds(clo, 16)], pos, mask=m)
            plsc.store_compressed(idxb.at[pl.ds(chi, 16)], v - _H, mask=nm)
            plsc.store_compressed(posb.at[pl.ds(chi, 16)], pos, mask=nm)
            nl = jnp.sum(m.astype(jnp.int32))
            return (clo + nl, chi + 16 - nl)

        lax.fori_loop(0, n // 16, fill_body, (0, hi0))
        return nlo, hi0

    nlo_t, hi0_t = bin_list(orig_t, nct, tidx_v, tpos_v)
    nlo_c, hi0_c = bin_list(orig_c, ncc, cidx_v, cpos_v, cast=True)

    def zero_body(i, _):
        acc_v[pl.ds(i * 16, 16)] = jnp.zeros((16,), jnp.float32)
        return 0

    lax.fori_loop(0, ncc // 16, zero_body, 0)

    _DSTS = {0: "loA", 1: "hi", 2: "loB", 3: "hi"}

    def _refs(k):
        table = ttT if k < 2 else ctT
        dst = {"loA": buf_loA, "loB": buf_loB, "hi": buf_hi}[_DSTS[k]]
        if k % 2 == 0:
            src = lambda d: table.at[d].at[pl.ds(0, _H)]
        else:
            src = lambda d: table.at[d].at[pl.ds(_H, V - _H)]
        return src, dst

    def stage(k, d):
        src, dst = _refs(k)
        pltpu.async_copy(src(d), dst, sems[k])

    def stage_wait(k, d):
        src, dst = _refs(k)
        pltpu.make_async_copy(src(d), dst, sems[k]).wait()

    def gather_piece(buf, idxb, posb, start, cnt, vals):
        nch = (cnt + _CHUNK - 1) // _CHUNK

        def fire(j, _):
            pltpu.async_copy(
                buf.at[idxb.at[pl.ds(start + j * _CHUNK, _CHUNK)]],
                glist_v.at[pl.ds(j * _CHUNK, _CHUNK)], sem_g)
            return 0

        def drain(j, _):
            pltpu.make_async_copy(
                buf.at[idxb.at[pl.ds(start + j * _CHUNK, _CHUNK)]],
                glist_v.at[pl.ds(j * _CHUNK, _CHUNK)], sem_g).wait()
            return 0

        lax.fori_loop(0, nch, fire, 0)
        lax.fori_loop(0, nch, drain, 0)

        def scat(i, _):
            val = glist_v[pl.ds(i * 16, 16)]
            p = posb[pl.ds(start + i * 16, 16)]
            m = (i * 16 + lax.iota(jnp.int32, 16)) < cnt
            plsc.store_scatter(vals, [p], val, mask=m)
            return 0

        lax.fori_loop(0, (cnt + 15) // 16, scat, 0)

    @pl.when(sid == 0)
    def _():
        stage(0, d0)

    @pl.when(sid == 1)
    def _():
        stage(1, d0)

    def i_body(i, _):
        sl = pl.ds(i * 16, 16)
        t = tvals_v[sl]
        for k in range(K):
            ksl = pl.ds(k * bpt + i * 16, 16)
            plsc.addupdate(acc_v.at[ksl], t * cvals_v[ksl])
        return 0

    def d_body(dd, _):
        d = d0 + dd

        @pl.when(sid == 0)
        def _():
            stage_wait(0, d)
        plsc.subcore_barrier()

        @pl.when(sid == 2)
        def _():
            stage(2, d)
        gather_piece(buf_loA, tidx_v, tpos_v, 0, nlo_t, tvals_v)

        @pl.when(sid == 1)
        def _():
            stage_wait(1, d)
        plsc.subcore_barrier()
        gather_piece(buf_hi, tidx_v, tpos_v, hi0_t, nct - nlo_t, tvals_v)
        plsc.subcore_barrier()

        @pl.when(sid == 3)
        def _():
            stage(3, d)

        @pl.when(sid == 2)
        def _():
            stage_wait(2, d)
        plsc.subcore_barrier()

        @pl.when(jnp.logical_and(sid == 0, dd + 1 < dpc))
        def _():
            stage(0, d + 1)
        gather_piece(buf_loB, cidx_v, cpos_v, 0, nlo_c, cvals_v)

        @pl.when(sid == 3)
        def _():
            stage_wait(3, d)
        plsc.subcore_barrier()
        gather_piece(buf_hi, cidx_v, cpos_v, hi0_c, ncc - nlo_c, cvals_v)
        plsc.subcore_barrier()

        @pl.when(jnp.logical_and(sid == 1, dd + 1 < dpc))
        def _():
            stage(1, d + 1)

        lax.fori_loop(0, bpt // 16, i_body, 0)
        return 0

    lax.fori_loop(0, dpc, d_body, 0)
    plsc.subcore_barrier()

    for k in range(K):
        pltpu.sync_copy(acc_v.at[pl.ds(k * bpt, bpt)],
                        out_hbm.at[pl.ds((core * K + k) * B + b0, bpt)])


def kernel(target, context, target_table, context_table):
    V, D = target_table.shape
    B = target.shape[0]
    K = context.shape[1]
    bpt = B // _NS
    ttT = target_table.T
    ctT = context_table.T
    tgt = target.reshape(B)
    ctx = jnp.transpose(context.reshape(B, K)).reshape(K * B)
    ctx = lax.bitcast_convert_type(ctx, jnp.float32)

    mesh = plsc.VectorSubcoreMesh(core_axis_name="c", subcore_axis_name="s",
                                  num_cores=_NC, num_subcores=_NS)
    tsz = bpt + 2 * _CHUNK
    csz = K * bpt + 2 * _CHUNK
    parts = pl.kernel(
        functools.partial(_skipgram_body, V, B, K, bpt),
        out_type=jax.ShapeDtypeStruct((_NC * K * B,), jnp.float32),
        mesh=mesh,
        compiler_params=pltpu.CompilerParams(needs_layout_passes=False),
        scratch_types=[
            pltpu.VMEM_SHARED((_H,), jnp.float32),
            pltpu.VMEM_SHARED((_H,), jnp.float32),
            pltpu.VMEM_SHARED((V - _H,), jnp.float32),
            pltpu.VMEM((bpt,), jnp.int32),
            pltpu.VMEM((K * bpt,), jnp.float32),
            pltpu.VMEM((tsz,), jnp.int32),
            pltpu.VMEM((tsz,), jnp.int32),
            pltpu.VMEM((csz,), jnp.int32),
            pltpu.VMEM((csz,), jnp.int32),
            pltpu.VMEM((bpt + 16,), jnp.float32),
            pltpu.VMEM((K * bpt + 16,), jnp.float32),
            pltpu.VMEM((K * bpt,), jnp.float32),
            pltpu.SemaphoreType.DMA,
            pltpu.SemaphoreType.DMA,
            pltpu.SemaphoreType.DMA,
            pltpu.SemaphoreType.DMA,
            pltpu.SemaphoreType.DMA,
        ],
    )(ttT, ctT, tgt, ctx)
    parts = parts.reshape(_NC, K, B)
    return jnp.transpose(parts[0] + parts[1])

# --- scband reference (transcript-rebuilt; emitter-appended) ---
"""Pipeline reference for scband-skipgram-13778255086321 (READ-ONLY COPY).

The authoritative reference and input builder live on the scoring server;
editing this copy changes nothing except your own understanding.
"""

import jax, jax.numpy as jnp
import numpy as np

VOCAB = 1000000
DIM = 64
BATCH = 16384
K = 5

def setup_inputs(seed: int = 0) -> dict:
    key = jax.random.key(seed)
    k1, k2, k3, k4 = jax.random.split(key, 4)
    target = jax.random.randint(k1, (BATCH, 1), 0, VOCAB, dtype=jnp.int64 if jax.config.jax_enable_x64 else jnp.int32).astype(jnp.int32)
    context = jax.random.randint(k2, (BATCH, K, 1), 0, VOCAB, dtype=jnp.int64 if jax.config.jax_enable_x64 else jnp.int32).astype(jnp.int32)
    # Keras 'uniform' embeddings_initializer draws from U(-0.05, 0.05)
    target_table = jax.random.uniform(k3, (VOCAB, DIM), minval=-0.05, maxval=0.05, dtype=jnp.float32)
    context_table = jax.random.uniform(k4, (VOCAB, DIM), minval=-0.05, maxval=0.05, dtype=jnp.float32)
    return {"target": target, "context": context, "target_table": target_table, "context_table": context_table}

def reference(target, context, target_table, context_table):
    # target_embedding lookup: [B, 1] -> [B, 1, D]
    we = jnp.take(target_table, target, axis=0)
    # context_embedding lookup: [B, K, 1] -> [B, K, 1, D]
    ce = jnp.take(context_table, context, axis=0)
    # keras.layers.Dot(axes=(3, 2)): contract ce axis 3 (D) with we axis 2 (D),
    # batch over axis 0 -> output shape [B, K, 1, 1]
    dots = jnp.einsum('bkid,bjd->bkij', ce, we)
    # Flatten -> [B, K]
    return dots.reshape(dots.shape[0], -1)

if __name__ == "__main__":
    import jax
    _d = setup_inputs()
    print(jax.jit(kernel)(*tuple(_d.values())))

</pallas_src>

<mosaic_0001>
#map = affine_map<(d0, d1) -> (0, 0)>
#map1 = affine_map<(d0, d1) -> (0)>
module attributes {stable_mosaic.version = 14 : i64} {
  func.func @_skipgram_body(%arg0: i32, %arg1: i32, %arg2: memref<64x1000000xf32, #tpu.memory_space<hbm>>, %arg3: memref<64x1000000xf32, #tpu.memory_space<hbm>>, %arg4: memref<16384xi32, #tpu.memory_space<hbm>>, %arg5: memref<81920xf32, #tpu.memory_space<hbm>>, %arg6: memref<163840xf32, #tpu.memory_space<hbm>>, %arg7: memref<596096xf32, #tpu.memory_space<vmem_shared>>, %arg8: memref<596096xf32, #tpu.memory_space<vmem_shared>>, %arg9: memref<403904xf32, #tpu.memory_space<vmem_shared>>, %arg10: memref<1024xi32, #tpu.memory_space<vmem>>, %arg11: memref<5120xf32, #tpu.memory_space<vmem>>, %arg12: memref<1280xi32, #tpu.memory_space<vmem>>, %arg13: memref<1280xi32, #tpu.memory_space<vmem>>, %arg14: memref<5376xi32, #tpu.memory_space<vmem>>, %arg15: memref<5376xi32, #tpu.memory_space<vmem>>, %arg16: memref<1040xf32, #tpu.memory_space<vmem>>, %arg17: memref<5136xf32, #tpu.memory_space<vmem>>, %arg18: memref<5120xf32, #tpu.memory_space<vmem>>, %arg19: memref<!tpu.dma_semaphore, #tpu.memory_space<semaphore_mem>>, %arg20: memref<!tpu.dma_semaphore, #tpu.memory_space<semaphore_mem>>, %arg21: memref<!tpu.dma_semaphore, #tpu.memory_space<semaphore_mem>>, %arg22: memref<!tpu.dma_semaphore, #tpu.memory_space<semaphore_mem>>, %arg23: memref<!tpu.dma_semaphore, #tpu.memory_space<semaphore_mem>>) attributes {dimension_semantics = [#tpu.dimension_semantics<core_parallel>, #tpu.dimension_semantics<subcore_parallel>], iteration_bounds = array<i64: 2, 16>, scalar_prefetch = 0 : i64, scratch_operands = 17 : i64, tpu.core_type = #tpu.core_type<sc_vector_subcore>, window_params = [{transform_indices = #map}, {transform_indices = #map}, {transform_indices = #map1}, {transform_indices = #map1}, {transform_indices = #map1}]} {
    %mul3A = arith.constant 32 : i32
    %mul3A_0 = arith.muli %arg0, %mul3A : i32
    %mul3A_1 = arith.constant 1024 : i32
    %mul3A_2 = arith.muli %arg1, %mul3A_1 : i32
    "tpu.region"() ({
      %run_scoped3A = tpu.sem_alloc : memref<!tpu.dma_semaphore, #tpu.memory_space<semaphore_mem>>
      %dma_start3A = tpu.memref_slice %arg4[%mul3A_2] : memref<16384xi32, #tpu.memory_space<hbm>> -> memref<1024xi32, #tpu.memory_space<hbm>>
      %dma_start3A_175 = tpu.memref_slice %arg4[%mul3A_2] : memref<16384xi32, #tpu.memory_space<hbm>> -> memref<1024xi32, #tpu.memory_space<hbm>>
      tpu.enqueue_dma source(%dma_start3A_175 : memref<1024xi32, #tpu.memory_space<hbm>>) target(%arg10 : memref<1024xi32, #tpu.memory_space<vmem>>) target_semaphore(%run_scoped3A : memref<!tpu.dma_semaphore, #tpu.memory_space<semaphore_mem>>)
      %dma_wait3A = tpu.memref_slice %arg4[%mul3A_2] : memref<16384xi32, #tpu.memory_space<hbm>> -> memref<1024xi32, #tpu.memory_space<hbm>>
      %dma_wait3A_176 = tpu.memref_slice %arg4[%mul3A_2] : memref<16384xi32, #tpu.memory_space<hbm>> -> memref<1024xi32, #tpu.memory_space<hbm>>
      tpu.wait_dma2 semaphore(%run_scoped3A : memref<!tpu.dma_semaphore, #tpu.memory_space<semaphore_mem>>) src(%dma_wait3A_176 : memref<1024xi32, #tpu.memory_space<hbm>>) dst(%arg10 : memref<1024xi32, #tpu.memory_space<vmem>>)
      tpu.yield
    }) : () -> ()
    %add3A = arith.constant 0 : i32
    %add3A_3 = arith.addi %add3A, %mul3A_2 : i32
    "tpu.region"() ({
      %run_scoped3A = tpu.sem_alloc : memref<!tpu.dma_semaphore, #tpu.memory_space<semaphore_mem>>
      %dma_start3A = arith.constant 0 : i32
      %dma_start3A_175 = tpu.memref_slice %arg11[%dma_start3A] : memref<5120xf32, #tpu.memory_space<vmem>> -> memref<1024xf32, #tpu.memory_space<vmem>>
      %dma_start3A_176 = tpu.memref_slice %arg5[%add3A_3] : memref<81920xf32, #tpu.memory_space<hbm>> -> memref<1024xf32, #tpu.memory_space<hbm>>
      %dma_start3A_177 = arith.constant 0 : i32
      %dma_start3A_178 = tpu.memref_slice %arg11[%dma_start3A_177] : memref<5120xf32, #tpu.memory_space<vmem>> -> memref<1024xf32, #tpu.memory_space<vmem>>
      %dma_start3A_179 = tpu.memref_slice %arg5[%add3A_3] : memref<81920xf32, #tpu.memory_space<hbm>> -> memref<1024xf32, #tpu.memory_space<hbm>>
      tpu.enqueue_dma source(%dma_start3A_179 : memref<1024xf32, #tpu.memory_space<hbm>>) target(%dma_start3A_178 : memref<1024xf32, #tpu.memory_space<vmem>>) target_semaphore(%run_scoped3A : memref<!tpu.dma_semaphore, #tpu.memory_space<semaphore_mem>>)
      %dma_wait3A = arith.constant 0 : i32
      %dma_wait3A_180 = tpu.memref_slice %arg11[%dma_wait3A] : memref<5120xf32, #tpu.memory_space<vmem>> -> memref<1024xf32, #tpu.memory_space<vmem>>
      %dma_wait3A_181 = tpu.memref_slice %arg5[%add3A_3] : memref<81920xf32, #tpu.memory_space<hbm>> -> memref<1024xf32, #tpu.memory_space<hbm>>
      %dma_wait3A_182 = arith.constant 0 : i32
      %dma_wait3A_183 = tpu.memref_slice %arg11[%dma_wait3A_182] : memref<5120xf32, #tpu.memory_space<vmem>> -> memref<1024xf32, #tpu.memory_space<vmem>>
      %dma_wait3A_184 = tpu.memref_slice %arg5[%add3A_3] : memref<81920xf32, #tpu.memory_space<hbm>> -> memref<1024xf32, #tpu.memory_space<hbm>>
      tpu.wait_dma2 semaphore(%run_scoped3A : memref<!tpu.dma_semaphore, #tpu.memory_space<semaphore_mem>>) src(%dma_wait3A_184 : memref<1024xf32, #tpu.memory_space<hbm>>) dst(%dma_wait3A_183 : memref<1024xf32, #tpu.memory_space<vmem>>)
      tpu.yield
    }) : () -> ()
    %add3A_4 = arith.constant 16384 : i32
    %add3A_5 = arith.addi %add3A_4, %mul3A_2 : i32
    "tpu.region"() ({
      %run_scoped3A = tpu.sem_alloc : memref<!tpu.dma_semaphore, #tpu.memory_space<semaphore_mem>>
      %dma_start3A = arith.constant 1024 : i32
      %dma_start3A_175 = tpu.memref_slice %arg11[%dma_start3A] : memref<5120xf32, #tpu.memory_space<vmem>> -> memref<1024xf32, #tpu.memory_space<vmem>>
      %dma_start3A_176 = tpu.memref_slice %arg5[%add3A_5] : memref<81920xf32, #tpu.memory_space<hbm>> -> memref<1024xf32, #tpu.memory_space<hbm>>
      %dma_start3A_177 = arith.constant 1024 : i32
      %dma_start3A_178 = tpu.memref_slice %arg11[%dma_start3A_177] : memref<5120xf32, #tpu.memory_space<vmem>> -> memref<1024xf32, #tpu.memory_space<vmem>>
      %dma_start3A_179 = tpu.memref_slice %arg5[%add3A_5] : memref<81920xf32, #tpu.memory_space<hbm>> -> memref<1024xf32, #tpu.memory_space<hbm>>
      tpu.enqueue_dma source(%dma_start3A_179 : memref<1024xf32, #tpu.memory_space<hbm>>) target(%dma_start3A_178 : memref<1024xf32, #tpu.memory_space<vmem>>) target_semaphore(%run_scoped3A : memref<!tpu.dma_semaphore, #tpu.memory_space<semaphore_mem>>)
      %dma_wait3A = arith.constant 1024 : i32
      %dma_wait3A_180 = tpu.memref_slice %arg11[%dma_wait3A] : memref<5120xf32, #tpu.memory_space<vmem>> -> memref<1024xf32, #tpu.memory_space<vmem>>
      %dma_wait3A_181 = tpu.memref_slice %arg5[%add3A_5] : memref<81920xf32, #tpu.memory_space<hbm>> -> memref<1024xf32, #tpu.memory_space<hbm>>
      %dma_wait3A_182 = arith.constant 1024 : i32
      %dma_wait3A_183 = tpu.memref_slice %arg11[%dma_wait3A_182] : memref<5120xf32, #tpu.memory_space<vmem>> -> memref<1024xf32, #tpu.memory_space<vmem>>
      %dma_wait3A_184 = tpu.memref_slice %arg5[%add3A_5] : memref<81920xf32, #tpu.memory_space<hbm>> -> memref<1024xf32, #tpu.memory_space<hbm>>
      tpu.wait_dma2 semaphore(%run_scoped3A : memref<!tpu.dma_semaphore, #tpu.memory_space<semaphore_mem>>) src(%dma_wait3A_184 : memref<1024xf32, #tpu.memory_space<hbm>>) dst(%dma_wait3A_183 : memref<1024xf32, #tpu.memory_space<vmem>>)
      tpu.yield
    }) : () -> ()
    %add3A_6 = arith.constant 32768 : i32
    %add3A_7 = arith.addi %add3A_6, %mul3A_2 : i32
    "tpu.region"() ({
      %run_scoped3A = tpu.sem_alloc : memref<!tpu.dma_semaphore, #tpu.memory_space<semaphore_mem>>
      %dma_start3A = arith.constant 2048 : i32
      %dma_start3A_175 = tpu.memref_slice %arg11[%dma_start3A] : memref<5120xf32, #tpu.memory_space<vmem>> -> memref<1024xf32, #tpu.memory_space<vmem>>
      %dma_start3A_176 = tpu.memref_slice %arg5[%add3A_7] : memref<81920xf32, #tpu.memory_space<hbm>> -> memref<1024xf32, #tpu.memory_space<hbm>>
      %dma_start3A_177 = arith.constant 2048 : i32
      %dma_start3A_178 = tpu.memref_slice %arg11[%dma_start3A_177] : memref<5120xf32, #tpu.memory_space<vmem>> -> memref<1024xf32, #tpu.memory_space<vmem>>
      %dma_start3A_179 = tpu.memref_slice %arg5[%add3A_7] : memref<81920xf32, #tpu.memory_space<hbm>> -> memref<1024xf32, #tpu.memory_space<hbm>>
      tpu.enqueue_dma source(%dma_start3A_179 : memref<1024xf32, #tpu.memory_space<hbm>>) target(%dma_start3A_178 : memref<1024xf32, #tpu.memory_space<vmem>>) target_semaphore(%run_scoped3A : memref<!tpu.dma_semaphore, #tpu.memory_space<semaphore_mem>>)
      %dma_wait3A = arith.constant 2048 : i32
      %dma_wait3A_180 = tpu.memref_slice %arg11[%dma_wait3A] : memref<5120xf32, #tpu.memory_space<vmem>> -> memref<1024xf32, #tpu.memory_space<vmem>>
      %dma_wait3A_181 = tpu.memref_slice %arg5[%add3A_7] : memref<81920xf32, #tpu.memory_space<hbm>> -> memref<1024xf32, #tpu.memory_space<hbm>>
      %dma_wait3A_182 = arith.constant 2048 : i32
      %dma_wait3A_183 = tpu.memref_slice %arg11[%dma_wait3A_182] : memref<5120xf32, #tpu.memory_space<vmem>> -> memref<1024xf32, #tpu.memory_space<vmem>>
      %dma_wait3A_184 = tpu.memref_slice %arg5[%add3A_7] : memref<81920xf32, #tpu.memory_space<hbm>> -> memref<1024xf32, #tpu.memory_space<hbm>>
      tpu.wait_dma2 semaphore(%run_scoped3A : memref<!tpu.dma_semaphore, #tpu.memory_space<semaphore_mem>>) src(%dma_wait3A_184 : memref<1024xf32, #tpu.memory_space<hbm>>) dst(%dma_wait3A_183 : memref<1024xf32, #tpu.memory_space<vmem>>)
      tpu.yield
    }) : () -> ()
    %add3A_8 = arith.constant 49152 : i32
    %add3A_9 = arith.addi %add3A_8, %mul3A_2 : i32
    "tpu.region"() ({
      %run_scoped3A = tpu.sem_alloc : memref<!tpu.dma_semaphore, #tpu.memory_space<semaphore_mem>>
      %dma_start3A = arith.constant 3072 : i32
      %dma_start3A_175 = tpu.memref_slice %arg11[%dma_start3A] : memref<5120xf32, #tpu.memory_space<vmem>> -> memref<1024xf32, #tpu.memory_space<vmem>>
      %dma_start3A_176 = tpu.memref_slice %arg5[%add3A_9] : memref<81920xf32, #tpu.memory_space<hbm>> -> memref<1024xf32, #tpu.memory_space<hbm>>
      %dma_start3A_177 = arith.constant 3072 : i32
      %dma_start3A_178 = tpu.memref_slice %arg11[%dma_start3A_177] : memref<5120xf32, #tpu.memory_space<vmem>> -> memref<1024xf32, #tpu.memory_space<vmem>>
      %dma_start3A_179 = tpu.memref_slice %arg5[%add3A_9] : memref<81920xf32, #tpu.memory_space<hbm>> -> memref<1024xf32, #tpu.memory_space<hbm>>
      tpu.enqueue_dma source(%dma_start3A_179 : memref<1024xf32, #tpu.memory_space<hbm>>) target(%dma_start3A_178 : memref<1024xf32, #tpu.memory_space<vmem>>) target_semaphore(%run_scoped3A : memref<!tpu.dma_semaphore, #tpu.memory_space<semaphore_mem>>)
      %dma_wait3A = arith.constant 3072 : i32
      %dma_wait3A_180 = tpu.memref_slice %arg11[%dma_wait3A] : memref<5120xf32, #tpu.memory_space<vmem>> -> memref<1024xf32, #tpu.memory_space<vmem>>
      %dma_wait3A_181 = tpu.memref_slice %arg5[%add3A_9] : memref<81920xf32, #tpu.memory_space<hbm>> -> memref<1024xf32, #tpu.memory_space<hbm>>
      %dma_wait3A_182 = arith.constant 3072 : i32
      %dma_wait3A_183 = tpu.memref_slice %arg11[%dma_wait3A_182] : memref<5120xf32, #tpu.memory_space<vmem>> -> memref<1024xf32, #tpu.memory_space<vmem>>
      %dma_wait3A_184 = tpu.memref_slice %arg5[%add3A_9] : memref<81920xf32, #tpu.memory_space<hbm>> -> memref<1024xf32, #tpu.memory_space<hbm>>
      tpu.wait_dma2 semaphore(%run_scoped3A : memref<!tpu.dma_semaphore, #tpu.memory_space<semaphore_mem>>) src(%dma_wait3A_184 : memref<1024xf32, #tpu.memory_space<hbm>>) dst(%dma_wait3A_183 : memref<1024xf32, #tpu.memory_space<vmem>>)
      tpu.yield
    }) : () -> ()
    %add3A_10 = arith.constant 65536 : i32
    %add3A_11 = arith.addi %add3A_10, %mul3A_2 : i32
    "tpu.region"() ({
      %run_scoped3A = tpu.sem_alloc : memref<!tpu.dma_semaphore, #tpu.memory_space<semaphore_mem>>
      %dma_start3A = arith.constant 4096 : i32
      %dma_start3A_175 = tpu.memref_slice %arg11[%dma_start3A] : memref<5120xf32, #tpu.memory_space<vmem>> -> memref<1024xf32, #tpu.memory_space<vmem>>
      %dma_start3A_176 = tpu.memref_slice %arg5[%add3A_11] : memref<81920xf32, #tpu.memory_space<hbm>> -> memref<1024xf32, #tpu.memory_space<hbm>>
      %dma_start3A_177 = arith.constant 4096 : i32
      %dma_start3A_178 = tpu.memref_slice %arg11[%dma_start3A_177] : memref<5120xf32, #tpu.memory_space<vmem>> -> memref<1024xf32, #tpu.memory_space<vmem>>
      %dma_start3A_179 = tpu.memref_slice %arg5[%add3A_11] : memref<81920xf32, #tpu.memory_space<hbm>> -> memref<1024xf32, #tpu.memory_space<hbm>>
      tpu.enqueue_dma source(%dma_start3A_179 : memref<1024xf32, #tpu.memory_space<hbm>>) target(%dma_start3A_178 : memref<1024xf32, #tpu.memory_space<vmem>>) target_semaphore(%run_scoped3A : memref<!tpu.dma_semaphore, #tpu.memory_space<semaphore_mem>>)
      %dma_wait3A = arith.constant 4096 : i32
      %dma_wait3A_180 = tpu.memref_slice %arg11[%dma_wait3A] : memref<5120xf32, #tpu.memory_space<vmem>> -> memref<1024xf32, #tpu.memory_space<vmem>>
      %dma_wait3A_181 = tpu.memref_slice %arg5[%add3A_11] : memref<81920xf32, #tpu.memory_space<hbm>> -> memref<1024xf32, #tpu.memory_space<hbm>>
      %dma_wait3A_182 = arith.constant 4096 : i32
      %dma_wait3A_183 = tpu.memref_slice %arg11[%dma_wait3A_182] : memref<5120xf32, #tpu.memory_space<vmem>> -> memref<1024xf32, #tpu.memory_space<vmem>>
      %dma_wait3A_184 = tpu.memref_slice %arg5[%add3A_11] : memref<81920xf32, #tpu.memory_space<hbm>> -> memref<1024xf32, #tpu.memory_space<hbm>>
      tpu.wait_dma2 semaphore(%run_scoped3A : memref<!tpu.dma_semaphore, #tpu.memory_space<semaphore_mem>>) src(%dma_wait3A_184 : memref<1024xf32, #tpu.memory_space<hbm>>) dst(%dma_wait3A_183 : memref<1024xf32, #tpu.memory_space<vmem>>)
      tpu.yield
    }) : () -> ()
    %scan3A = arith.constant 0 : i32
    %scan3A_12 = arith.constant 0 : i32
    %scan3A_13 = arith.constant 80 : i32
    %scan3A_14 = arith.addi %scan3A_12, %scan3A_13 : i32
    %scan3A_15 = arith.constant 1 : i32
    %scan3A_16 = scf.for %scan3A_175 = %scan3A_12 to %scan3A_14 step %scan3A_15 iter_args(%scan3A_176 = %scan3A) -> (i32)  : i32 {
      %broadcast_in_dim3A = arith.constant 0 : i32
      %broadcast_in_dim3A_177 = vector.broadcast %broadcast_in_dim3A : i32 to vector<16xi32>
      %mul3A_178 = arith.constant 16 : i32
      %mul3A_179 = arith.muli %scan3A_175, %mul3A_178 : i32
      %swap3A = arith.index_cast %mul3A_179 : i32 to index
      %swap3A_180 = tpu.vector_load %arg12[%swap3A] {strides = array<i32>} : memref<1280xi32, #tpu.memory_space<vmem>>, vector<16xi32>,
      tpu.vector_store %arg12[%swap3A], %broadcast_in_dim3A_177 {strides = array<i32>} : memref<1280xi32, #tpu.memory_space<vmem>>, vector<16xi32>,
      %scan3A_181 = arith.constant 0 : i32
      scf.yield %scan3A_181 : i32
    }
    %scan3A_17 = arith.constant 80 : i32
    %scan3A_18 = arith.constant 0 : i32
    %scan3A_19 = arith.constant 0 : i32
    %scan3A_20 = arith.constant 336 : i32
    %scan3A_21 = arith.addi %scan3A_19, %scan3A_20 : i32
    %scan3A_22 = arith.constant 1 : i32
    %scan3A_23 = scf.for %scan3A_175 = %scan3A_19 to %scan3A_21 step %scan3A_22 iter_args(%scan3A_176 = %scan3A_18) -> (i32)  : i32 {
      %broadcast_in_dim3A = arith.constant 0 : i32
      %broadcast_in_dim3A_177 = vector.broadcast %broadcast_in_dim3A : i32 to vector<16xi32>
      %mul3A_178 = arith.constant 16 : i32
      %mul3A_179 = arith.muli %scan3A_175, %mul3A_178 : i32
      %swap3A = arith.index_cast %mul3A_179 : i32 to index
      %swap3A_180 = tpu.vector_load %arg14[%swap3A] {strides = array<i32>} : memref<5376xi32, #tpu.memory_space<vmem>>, vector<16xi32>,
      tpu.vector_store %arg14[%swap3A], %broadcast_in_dim3A_177 {strides = array<i32>} : memref<5376xi32, #tpu.memory_space<vmem>>, vector<16xi32>,
      %scan3A_181 = arith.constant 0 : i32
      scf.yield %scan3A_181 : i32
    }
    %scan3A_24 = arith.constant 336 : i32
    %scan3A_25 = arith.constant 0 : i32
    %scan3A_26 = arith.constant 0 : i32
    %scan3A_27 = arith.constant 80 : i32
    %scan3A_28 = arith.addi %scan3A_26, %scan3A_27 : i32
    %scan3A_29 = arith.constant 1 : i32
    %scan3A_30 = scf.for %scan3A_175 = %scan3A_26 to %scan3A_28 step %scan3A_29 iter_args(%scan3A_176 = %scan3A_25) -> (i32)  : i32 {
      %broadcast_in_dim3A = arith.constant 1024 : i32
      %broadcast_in_dim3A_177 = vector.broadcast %broadcast_in_dim3A : i32 to vector<16xi32>
      %mul3A_178 = arith.constant 16 : i32
      %mul3A_179 = arith.muli %scan3A_175, %mul3A_178 : i32
      %swap3A = arith.index_cast %mul3A_179 : i32 to index
      %swap3A_180 = tpu.vector_load %arg13[%swap3A] {strides = array<i32>} : memref<1280xi32, #tpu.memory_space<vmem>>, vector<16xi32>,
      tpu.vector_store %arg13[%swap3A], %broadcast_in_dim3A_177 {strides = array<i32>} : memref<1280xi32, #tpu.memory_space<vmem>>, vector<16xi32>,
      %scan3A_181 = arith.constant 0 : i32
      scf.yield %scan3A_181 : i32
    }
    %scan3A_31 = arith.constant 80 : i32
    %scan3A_32 = arith.constant 0 : i32
    %scan3A_33 = arith.constant 0 : i32
    %scan3A_34 = arith.constant 336 : i32
    %scan3A_35 = arith.addi %scan3A_33, %scan3A_34 : i32
    %scan3A_36 = arith.constant 1 : i32
    %scan3A_37 = scf.for %scan3A_175 = %scan3A_33 to %scan3A_35 step %scan3A_36 iter_args(%scan3A_176 = %scan3A_32) -> (i32)  : i32 {
      %broadcast_in_dim3A = arith.constant 5120 : i32
      %broadcast_in_dim3A_177 = vector.broadcast %broadcast_in_dim3A : i32 to vector<16xi32>
      %mul3A_178 = arith.constant 16 : i32
      %mul3A_179 = arith.muli %scan3A_175, %mul3A_178 : i32
      %swap3A = arith.index_cast %mul3A_179 : i32 to index
      %swap3A_180 = tpu.vector_load %arg15[%swap3A] {strides = array<i32>} : memref<5376xi32, #tpu.memory_space<vmem>>, vector<16xi32>,
      tpu.vector_store %arg15[%swap3A], %broadcast_in_dim3A_177 {strides = array<i32>} : memref<5376xi32, #tpu.memory_space<vmem>>, vector<16xi32>,
      %scan3A_181 = arith.constant 0 : i32
      scf.yield %scan3A_181 : i32
    }
    %scan3A_38 = arith.constant 336 : i32
    %scan3A_39 = arith.constant 0 : i32
    %scan3A_40 = arith.constant 0 : i32
    %scan3A_41 = arith.constant 64 : i32
    %scan3A_42 = arith.addi %scan3A_40, %scan3A_41 : i32
    %scan3A_43 = arith.constant 1 : i32
    %scan3A_44 = scf.for %scan3A_175 = %scan3A_40 to %scan3A_42 step %scan3A_43 iter_args(%scan3A_176 = %scan3A_39) -> (i32)  : i32 {
      %mul3A_177 = arith.constant 16 : i32
      %mul3A_178 = arith.muli %scan3A_175, %mul3A_177 : i32
      %get3A = arith.index_cast %mul3A_178 : i32 to index
      %get3A_179 = tpu.vector_load %arg10[%get3A] {strides = array<i32>} : memref<1024xi32, #tpu.memory_space<vmem>>, vector<16xi32>,
      %lt3A = arith.constant 596096 : i32
      %lt3A_180 = vector.broadcast %lt3A : i32 to vector<16xi32>
      %lt3A_181 = arith.cmpi slt, %get3A_179, %lt3A_180 : vector<16xi32>
      %convert_element_type3A_182 = arith.extui %lt3A_181 : vector<16xi1> to vector<16xi32>
      %reduce_sum3A = arith.constant true
      %reduce_sum3A_183 = vector.broadcast %reduce_sum3A : i1 to vector<16xi1>
      %reduce_sum3A_184 = tpu.scan <sum>, %convert_element_type3A_182 masked %reduce_sum3A_183 : vector<16xi32>, vector<16xi1> -> vector<16xi32>
      %reduce_sum3A_185 = vector.extract %reduce_sum3A_184[15] : i32 from vector<16xi32>
      %add3A_186 = arith.addi %scan3A_176, %reduce_sum3A_185 : i32
      scf.yield %add3A_186 : i32
    }
    %scan3A_45 = arith.constant 64 : i32
    %add3A_46 = arith.constant 128 : i32
    %add3A_47 = arith.addi %scan3A_44, %add3A_46 : i32
    %sub3A = arith.constant 1 : i32
    %sub3A_48 = arith.subi %add3A_47, %sub3A : i32
    %jit3A = arith.constant 128 : i32
    %div3A = arith.divsi %sub3A_48, %jit3A : i32
    %sign3A = arith.constant 0 : i32
    %sign3A_49 = arith.cmpi sgt, %sub3A_48, %sign3A : i32
    %sign3A_50 = arith.extui %sign3A_49 : i1 to i32
    %sign3A_51 = arith.constant 0 : i32
    %sign3A_52 = arith.cmpi slt, %sub3A_48, %sign3A_51 : i32
    %sign3A_53 = arith.extui %sign3A_52 : i1 to i32
    %sign3A_54 = arith.subi %sign3A_50, %sign3A_53 : i32
    %sign3A_55 = arith.constant 0 : i32
    %sign3A_56 = arith.cmpi sgt, %jit3A, %sign3A_55 : i32
    %sign3A_57 = arith.extui %sign3A_56 : i1 to i32
    %sign3A_58 = arith.constant 0 : i32
    %sign3A_59 = arith.cmpi slt, %jit3A, %sign3A_58 : i32
    %sign3A_60 = arith.extui %sign3A_59 : i1 to i32
    %sign3A_61 = arith.subi %sign3A_57, %sign3A_60 : i32
    %ne3A = arith.cmpi ne, %sign3A_54, %sign3A_61 : i32
    %rem3A = arith.remsi %sub3A_48, %jit3A : i32
    %ne3A_62 = arith.constant 0 : i32
    %ne3A_63 = arith.cmpi ne, %rem3A, %ne3A_62 : i32
    %and3A = arith.andi %ne3A, %ne3A_63 : i1
    %sub3A_64 = arith.constant 1 : i32
    %sub3A_65 = arith.subi %div3A, %sub3A_64 : i32
    %select_n3A = arith.select %and3A, %sub3A_65, %div3A : i32
    %mul3A_66 = arith.constant 128 : i32
    %mul3A_67 = arith.muli %select_n3A, %mul3A_66 : i32
    %scan3A_68 = arith.constant 0 : i32
    %scan3A_69 = arith.constant 0 : i32
    %scan3A_70 = arith.constant 64 : i32
    %scan3A_71 = arith.addi %scan3A_69, %scan3A_70 : i32
    %scan3A_72 = arith.constant 1 : i32
    %scan3A_73:2 = scf.for %scan3A_175 = %scan3A_69 to %scan3A_71 step %scan3A_72 iter_args(%scan3A_176 = %scan3A_68, %scan3A_177 = %mul3A_67) -> (i32, i32)  : i32 {
      %mul3A_178 = arith.constant 16 : i32
      %mul3A_179 = arith.muli %scan3A_175, %mul3A_178 : i32
      %get3A = arith.index_cast %mul3A_179 : i32 to index
      %get3A_180 = tpu.vector_load %arg10[%get3A] {strides = array<i32>} : memref<1024xi32, #tpu.memory_space<vmem>>, vector<16xi32>,
      %lt3A = arith.constant 596096 : i32
      %lt3A_181 = vector.broadcast %lt3A : i32 to vector<16xi32>
      %lt3A_182 = arith.cmpi slt, %get3A_180, %lt3A_181 : vector<16xi32>
      %not3A = arith.constant dense<true> : vector<16xi1>
      %not3A_183 = arith.xori %lt3A_182, %not3A : vector<16xi1>
      %mul3A_184 = arith.constant 16 : i32
      %mul3A_185 = arith.muli %scan3A_175, %mul3A_184 : i32
      %iota3A = tpu.iota {dimensions = array<i32: 0>} : vector<16xi32>
      %add3A_186 = vector.broadcast %mul3A_185 : i32 to vector<16xi32>
      %add3A_187 = arith.addi %add3A_186, %iota3A : vector<16xi32>
      %swap3A = arith.index_cast %scan3A_176 : i32 to index
      %swap3A_188 = tpu.vector_load %arg12[%swap3A] masked %lt3A_182 {strides = array<i32>} : memref<1280xi32, #tpu.memory_space<vmem>>, vector<16xi32>, vector<16xi1>
      tpu.vector_store %arg12[%swap3A], %get3A_180 masked %lt3A_182 {strides = array<i32>} : memref<1280xi32, #tpu.memory_space<vmem>>, vector<16xi32>, vector<16xi1>
      %swap3A_189 = arith.index_cast %scan3A_176 : i32 to index
      %swap3A_190 = tpu.vector_load %arg13[%swap3A_189] masked %lt3A_182 {strides = array<i32>} : memref<1280xi32, #tpu.memory_space<vmem>>, vector<16xi32>, vector<16xi1>
      tpu.vector_store %arg13[%swap3A_189], %add3A_187 masked %lt3A_182 {strides = array<i32>} : memref<1280xi32, #tpu.memory_space<vmem>>, vector<16xi32>, vector<16xi1>
      %sub3A_191 = arith.constant 596096 : i32
      %sub3A_192 = vector.broadcast %sub3A_191 : i32 to vector<16xi32>
      %sub3A_193 = arith.subi %get3A_180, %sub3A_192 : vector<16xi32>
      %swap3A_194 = arith.index_cast %scan3A_177 : i32 to index
      %swap3A_195 = tpu.vector_load %arg12[%swap3A_194] masked %not3A_183 {strides = array<i32>} : memref<1280xi32, #tpu.memory_space<vmem>>, vector<16xi32>, vector<16xi1>
      tpu.vector_store %arg12[%swap3A_194], %sub3A_193 masked %not3A_183 {strides = array<i32>} : memref<1280xi32, #tpu.memory_space<vmem>>, vector<16xi32>, vector<16xi1>
      %swap3A_196 = arith.index_cast %scan3A_177 : i32 to index
      %swap3A_197 = tpu.vector_load %arg13[%swap3A_196] masked %not3A_183 {strides = array<i32>} : memref<1280xi32, #tpu.memory_space<vmem>>, vector<16xi32>, vector<16xi1>
      tpu.vector_store %arg13[%swap3A_196], %add3A_187 masked %not3A_183 {strides = array<i32>} : memref<1280xi32, #tpu.memory_space<vmem>>, vector<16xi32>, vector<16xi1>
      %convert_element_type3A_198 = arith.extui %lt3A_182 : vector<16xi1> to vector<16xi32>
      %reduce_sum3A = arith.constant true
      %reduce_sum3A_199 = vector.broadcast %reduce_sum3A : i1 to vector<16xi1>
      %reduce_sum3A_200 = tpu.scan <sum>, %convert_element_type3A_198 masked %reduce_sum3A_199 : vector<16xi32>, vector<16xi1> -> vector<16xi32>
      %reduce_sum3A_201 = vector.extract %reduce_sum3A_200[15] : i32 from vector<16xi32>
      %add3A_202 = arith.addi %scan3A_176, %reduce_sum3A_201 : i32
      %add3A_203 = arith.constant 16 : i32
      %add3A_204 = arith.addi %scan3A_177, %add3A_203 : i32
      %sub3A_205 = arith.subi %add3A_204, %reduce_sum3A_201 : i32
      scf.yield %add3A_202, %sub3A_205 : i32, i32
    }
    %scan3A_74 = arith.constant 64 : i32
    %scan3A_75 = arith.constant 0 : i32
    %scan3A_76 = arith.constant 0 : i32
    %scan3A_77 = arith.constant 320 : i32
    %scan3A_78 = arith.addi %scan3A_76, %scan3A_77 : i32
    %scan3A_79 = arith.constant 1 : i32
    %scan3A_80 = scf.for %scan3A_175 = %scan3A_76 to %scan3A_78 step %scan3A_79 iter_args(%scan3A_176 = %scan3A_75) -> (i32)  : i32 {
      %mul3A_177 = arith.constant 16 : i32
      %mul3A_178 = arith.muli %scan3A_175, %mul3A_177 : i32
      %get3A = arith.index_cast %mul3A_178 : i32 to index
      %get3A_179 = tpu.vector_load %arg11[%get3A] {strides = array<i32>} : memref<5120xf32, #tpu.memory_space<vmem>>, vector<16xf32>,
      %bitcast3A = vector.bitcast %get3A_179 : vector<16xf32> to vector<16xi32>
      %lt3A = arith.constant 596096 : i32
      %lt3A_180 = vector.broadcast %lt3A : i32 to vector<16xi32>
      %lt3A_181 = arith.cmpi slt, %bitcast3A, %lt3A_180 : vector<16xi32>
      %convert_element_type3A_182 = arith.extui %lt3A_181 : vector<16xi1> to vector<16xi32>
      %reduce_sum3A = arith.constant true
      %reduce_sum3A_183 = vector.broadcast %reduce_sum3A : i1 to vector<16xi1>
      %reduce_sum3A_184 = tpu.scan <sum>, %convert_element_type3A_182 masked %reduce_sum3A_183 : vector<16xi32>, vector<16xi1> -> vector<16xi32>
      %reduce_sum3A_185 = vector.extract %reduce_sum3A_184[15] : i32 from vector<16xi32>
      %add3A_186 = arith.addi %scan3A_176, %reduce_sum3A_185 : i32
      scf.yield %add3A_186 : i32
    }
    %scan3A_81 = arith.constant 320 : i32
    %add3A_82 = arith.constant 128 : i32
    %add3A_83 = arith.addi %scan3A_80, %add3A_82 : i32
    %sub3A_84 = arith.constant 1 : i32
    %sub3A_85 = arith.subi %add3A_83, %sub3A_84 : i32
    %jit3A_86 = arith.constant 128 : i32
    %div3A_87 = arith.divsi %sub3A_85, %jit3A_86 : i32
    %sign3A_88 = arith.constant 0 : i32
    %sign3A_89 = arith.cmpi sgt, %sub3A_85, %sign3A_88 : i32
    %sign3A_90 = arith.extui %sign3A_89 : i1 to i32
    %sign3A_91 = arith.constant 0 : i32
    %sign3A_92 = arith.cmpi slt, %sub3A_85, %sign3A_91 : i32
    %sign3A_93 = arith.extui %sign3A_92 : i1 to i32
    %sign3A_94 = arith.subi %sign3A_90, %sign3A_93 : i32
    %sign3A_95 = arith.constant 0 : i32
    %sign3A_96 = arith.cmpi sgt, %jit3A_86, %sign3A_95 : i32
    %sign3A_97 = arith.extui %sign3A_96 : i1 to i32
    %sign3A_98 = arith.constant 0 : i32
    %sign3A_99 = arith.cmpi slt, %jit3A_86, %sign3A_98 : i32
    %sign3A_100 = arith.extui %sign3A_99 : i1 to i32
    %sign3A_101 = arith.subi %sign3A_97, %sign3A_100 : i32
    %ne3A_102 = arith.cmpi ne, %sign3A_94, %sign3A_101 : i32
    %rem3A_103 = arith.remsi %sub3A_85, %jit3A_86 : i32
    %ne3A_104 = arith.constant 0 : i32
    %ne3A_105 = arith.cmpi ne, %rem3A_103, %ne3A_104 : i32
    %and3A_106 = arith.andi %ne3A_102, %ne3A_105 : i1
    %sub3A_107 = arith.constant 1 : i32
    %sub3A_108 = arith.subi %div3A_87, %sub3A_107 : i32
    %select_n3A_109 = arith.select %and3A_106, %sub3A_108, %div3A_87 : i32
    %mul3A_110 = arith.constant 128 : i32
    %mul3A_111 = arith.muli %select_n3A_109, %mul3A_110 : i32
    %scan3A_112 = arith.constant 0 : i32
    %scan3A_113 = arith.constant 0 : i32
    %scan3A_114 = arith.constant 320 : i32
    %scan3A_115 = arith.addi %scan3A_113, %scan3A_114 : i32
    %scan3A_116 = arith.constant 1 : i32
    %scan3A_117:2 = scf.for %scan3A_175 = %scan3A_113 to %scan3A_115 step %scan3A_116 iter_args(%scan3A_176 = %scan3A_112, %scan3A_177 = %mul3A_111) -> (i32, i32)  : i32 {
      %mul3A_178 = arith.constant 16 : i32
      %mul3A_179 = arith.muli %scan3A_175, %mul3A_178 : i32
      %get3A = arith.index_cast %mul3A_179 : i32 to index
      %get3A_180 = tpu.vector_load %arg11[%get3A] {strides = array<i32>} : memref<5120xf32, #tpu.memory_space<vmem>>, vector<16xf32>,
      %bitcast3A = vector.bitcast %get3A_180 : vector<16xf32> to vector<16xi32>
      %lt3A = arith.constant 596096 : i32
      %lt3A_181 = vector.broadcast %lt3A : i32 to vector<16xi32>
      %lt3A_182 = arith.cmpi slt, %bitcast3A, %lt3A_181 : vector<16xi32>
      %not3A = arith.constant dense<true> : vector<16xi1>
      %not3A_183 = arith.xori %lt3A_182, %not3A : vector<16xi1>
      %mul3A_184 = arith.constant 16 : i32
      %mul3A_185 = arith.muli %scan3A_175, %mul3A_184 : i32
      %iota3A = tpu.iota {dimensions = array<i32: 0>} : vector<16xi32>
      %add3A_186 = vector.broadcast %mul3A_185 : i32 to vector<16xi32>
      %add3A_187 = arith.addi %add3A_186, %iota3A : vector<16xi32>
      %swap3A = arith.index_cast %scan3A_176 : i32 to index
      %swap3A_188 = tpu.vector_load %arg14[%swap3A] masked %lt3A_182 {strides = array<i32>} : memref<5376xi32, #tpu.memory_space<vmem>>, vector<16xi32>, vector<16xi1>
      tpu.vector_store %arg14[%swap3A], %bitcast3A masked %lt3A_182 {strides = array<i32>} : memref<5376xi32, #tpu.memory_space<vmem>>, vector<16xi32>, vector<16xi1>
      %swap3A_189 = arith.index_cast %scan3A_176 : i32 to index
      %swap3A_190 = tpu.vector_load %arg15[%swap3A_189] masked %lt3A_182 {strides = array<i32>} : memref<5376xi32, #tpu.memory_space<vmem>>, vector<16xi32>, vector<16xi1>
      tpu.vector_store %arg15[%swap3A_189], %add3A_187 masked %lt3A_182 {strides = array<i32>} : memref<5376xi32, #tpu.memory_space<vmem>>, vector<16xi32>, vector<16xi1>
      %sub3A_191 = arith.constant 596096 : i32
      %sub3A_192 = vector.broadcast %sub3A_191 : i32 to vector<16xi32>
      %sub3A_193 = arith.subi %bitcast3A, %sub3A_192 : vector<16xi32>
      %swap3A_194 = arith.index_cast %scan3A_177 : i32 to index
      %swap3A_195 = tpu.vector_load %arg14[%swap3A_194] masked %not3A_183 {strides = array<i32>} : memref<5376xi32, #tpu.memory_space<vmem>>, vector<16xi32>, vector<16xi1>
      tpu.vector_store %arg14[%swap3A_194], %sub3A_193 masked %not3A_183 {strides = array<i32>} : memref<5376xi32, #tpu.memory_space<vmem>>, vector<16xi32>, vector<16xi1>
      %swap3A_196 = arith.index_cast %scan3A_177 : i32 to index
      %swap3A_197 = tpu.vector_load %arg15[%swap3A_196] masked %not3A_183 {strides = array<i32>} : memref<5376xi32, #tpu.memory_space<vmem>>, vector<16xi32>, vector<16xi1>
      tpu.vector_store %arg15[%swap3A_196], %add3A_187 masked %not3A_183 {strides = array<i32>} : memref<5376xi32, #tpu.memory_space<vmem>>, vector<16xi32>, vector<16xi1>
      %convert_element_type3A_198 = arith.extui %lt3A_182 : vector<16xi1> to vector<16xi32>
      %reduce_sum3A = arith.constant true
      %reduce_sum3A_199 = vector.broadcast %reduce_sum3A : i1 to vector<16xi1>
      %reduce_sum3A_200 = tpu.scan <sum>, %convert_element_type3A_198 masked %reduce_sum3A_199 : vector<16xi32>, vector<16xi1> -> vector<16xi32>
      %reduce_sum3A_201 = vector.extract %reduce_sum3A_200[15] : i32 from vector<16xi32>
      %add3A_202 = arith.addi %scan3A_176, %reduce_sum3A_201 : i32
      %add3A_203 = arith.constant 16 : i32
      %add3A_204 = arith.addi %scan3A_177, %add3A_203 : i32
      %sub3A_205 = arith.subi %add3A_204, %reduce_sum3A_201 : i32
      scf.yield %add3A_202, %sub3A_205 : i32, i32
    }
    %scan3A_118 = arith.constant 320 : i32
    %scan3A_119 = arith.constant 0 : i32
    %scan3A_120 = arith.constant 0 : i32
    %scan3A_121 = arith.constant 320 : i32
    %scan3A_122 = arith.addi %scan3A_120, %scan3A_121 : i32
    %scan3A_123 = arith.constant 1 : i32
    %scan3A_124 = scf.for %scan3A_175 = %scan3A_120 to %scan3A_122 step %scan3A_123 iter_args(%scan3A_176 = %scan3A_119) -> (i32)  : i32 {
      %broadcast_in_dim3A = arith.constant 0.000000e+00 : f32
      %broadcast_in_dim3A_177 = vector.broadcast %broadcast_in_dim3A : f32 to vector<16xf32>
      %mul3A_178 = arith.constant 16 : i32
      %mul3A_179 = arith.muli %scan3A_175, %mul3A_178 : i32
      %swap3A = arith.index_cast %mul3A_179 : i32 to index
      %swap3A_180 = tpu.vector_load %arg18[%swap3A] {strides = array<i32>} : memref<5120xf32, #tpu.memory_space<vmem>>, vector<16xf32>,
      tpu.vector_store %arg18[%swap3A], %broadcast_in_dim3A_177 {strides = array<i32>} : memref<5120xf32, #tpu.memory_space<vmem>>, vector<16xf32>,
      %scan3A_181 = arith.constant 0 : i32
      scf.yield %scan3A_181 : i32
    }
    %scan3A_125 = arith.constant 320 : i32
    %eq3A = arith.constant 0 : i32
    %eq3A_126 = arith.cmpi eq, %arg1, %eq3A : i32
    %convert_element_type3A = arith.extui %eq3A_126 : i1 to i32
    %cond3A = arith.constant 0 : i32
    %cond3A_127 = arith.cmpi ne, %convert_element_type3A, %cond3A : i32
    scf.if %cond3A_127 {
      %dma_start3A = arith.constant 0 : i32
      %dma_start3A_175 = tpu.memref_slice %arg2[%mul3A_0, %dma_start3A] : memref<64x1000000xf32, #tpu.memory_space<hbm>> -> memref<1x1000000xf32, #tpu.memory_space<hbm>>
      %dma_start3A_176 = tpu.memref_squeeze %dma_start3A_175 : memref<1x1000000xf32, #tpu.memory_space<hbm>> -> memref<1000000xf32, #tpu.memory_space<hbm>>
      %dma_start3A_177 = arith.constant 0 : i32
      %dma_start3A_178 = tpu.memref_slice %dma_start3A_176[%dma_start3A_177] : memref<1000000xf32, #tpu.memory_space<hbm>> -> memref<596096xf32, #tpu.memory_space<hbm>>
      tpu.enqueue_dma source(%dma_start3A_178 : memref<596096xf32, #tpu.memory_space<hbm>>) target(%arg7 : memref<596096xf32, #tpu.memory_space<vmem_shared>>) target_semaphore(%arg19 : memref<!tpu.dma_semaphore, #tpu.memory_space<semaphore_mem>>)
    } else {
    }
    %eq3A_128 = arith.constant 1 : i32
    %eq3A_129 = arith.cmpi eq, %arg1, %eq3A_128 : i32
    %convert_element_type3A_130 = arith.extui %eq3A_129 : i1 to i32
    %cond3A_131 = arith.constant 0 : i32
    %cond3A_132 = arith.cmpi ne, %convert_element_type3A_130, %cond3A_131 : i32
    scf.if %cond3A_132 {
      %dma_start3A = arith.constant 0 : i32
      %dma_start3A_175 = tpu.memref_slice %arg2[%mul3A_0, %dma_start3A] : memref<64x1000000xf32, #tpu.memory_space<hbm>> -> memref<1x1000000xf32, #tpu.memory_space<hbm>>
      %dma_start3A_176 = tpu.memref_squeeze %dma_start3A_175 : memref<1x1000000xf32, #tpu.memory_space<hbm>> -> memref<1000000xf32, #tpu.memory_space<hbm>>
      %dma_start3A_177 = arith.constant 596096 : i32
      %dma_start3A_178 = tpu.memref_slice %dma_start3A_176[%dma_start3A_177] : memref<1000000xf32, #tpu.memory_space<hbm>> -> memref<403904xf32, #tpu.memory_space<hbm>>
      tpu.enqueue_dma source(%dma_start3A_178 : memref<403904xf32, #tpu.memory_space<hbm>>) target(%arg9 : memref<403904xf32, #tpu.memory_space<vmem_shared>>) target_semaphore(%arg20 : memref<!tpu.dma_semaphore, #tpu.memory_space<semaphore_mem>>)
    } else {
    }
    %scan3A_133 = arith.constant 0 : i32
    %scan3A_134 = arith.constant 0 : i32
    %scan3A_135 = arith.constant 32 : i32
    %scan3A_136 = arith.addi %scan3A_134, %scan3A_135 : i32
    %scan3A_137 = arith.constant 1 : i32
    %scan3A_138 = scf.for %scan3A_175 = %scan3A_134 to %scan3A_136 step %scan3A_137 iter_args(%scan3A_176 = %scan3A_133) -> (i32)  : i32 {
      %add3A_177 = arith.addi %mul3A_0, %scan3A_175 : i32
      %eq3A_178 = arith.constant 0 : i32
      %eq3A_179 = arith.cmpi eq, %arg1, %eq3A_178 : i32
      %convert_element_type3A_180 = arith.extui %eq3A_179 : i1 to i32
      %cond3A_181 = arith.constant 0 : i32
      %cond3A_182 = arith.cmpi ne, %convert_element_type3A_180, %cond3A_181 : i32
      scf.if %cond3A_182 {
        %dma_wait3A = arith.constant 0 : i32
        %dma_wait3A_604 = tpu.memref_slice %arg2[%add3A_177, %dma_wait3A] : memref<64x1000000xf32, #tpu.memory_space<hbm>> -> memref<1x1000000xf32, #tpu.memory_space<hbm>>
        %dma_wait3A_605 = tpu.memref_squeeze %dma_wait3A_604 : memref<1x1000000xf32, #tpu.memory_space<hbm>> -> memref<1000000xf32, #tpu.memory_space<hbm>>
        %dma_wait3A_606 = arith.constant 0 : i32
        %dma_wait3A_607 = tpu.memref_slice %dma_wait3A_605[%dma_wait3A_606] : memref<1000000xf32, #tpu.memory_space<hbm>> -> memref<596096xf32, #tpu.memory_space<hbm>>
        tpu.wait_dma2 semaphore(%arg19 : memref<!tpu.dma_semaphore, #tpu.memory_space<semaphore_mem>>) src(%dma_wait3A_607 : memref<596096xf32, #tpu.memory_space<hbm>>) dst(%arg7 : memref<596096xf32, #tpu.memory_space<vmem_shared>>)
      } else {
      }
      %barrier3A_183 = arith.constant 0 : index
      tpu.barrier barrier_id(%barrier3A_183)
      %eq3A_184 = arith.constant 2 : i32
      %eq3A_185 = arith.cmpi eq, %arg1, %eq3A_184 : i32
      %convert_element_type3A_186 = arith.extui %eq3A_185 : i1 to i32
      %cond3A_187 = arith.constant 0 : i32
      %cond3A_188 = arith.cmpi ne, %convert_element_type3A_186, %cond3A_187 : i32
      scf.if %cond3A_188 {
        %dma_start3A = arith.constant 0 : i32
        %dma_start3A_604 = tpu.memref_slice %arg3[%add3A_177, %dma_start3A] : memref<64x1000000xf32, #tpu.memory_space<hbm>> -> memref<1x1000000xf32, #tpu.memory_space<hbm>>
        %dma_start3A_605 = tpu.memref_squeeze %dma_start3A_604 : memref<1x1000000xf32, #tpu.memory_space<hbm>> -> memref<1000000xf32, #tpu.memory_space<hbm>>
        %dma_start3A_606 = arith.constant 0 : i32
        %dma_start3A_607 = tpu.memref_slice %dma_start3A_605[%dma_start3A_606] : memref<1000000xf32, #tpu.memory_space<hbm>> -> memref<596096xf32, #tpu.memory_space<hbm>>
        tpu.enqueue_dma source(%dma_start3A_607 : memref<596096xf32, #tpu.memory_space<hbm>>) target(%arg8 : memref<596096xf32, #tpu.memory_space<vmem_shared>>) target_semaphore(%arg21 : memref<!tpu.dma_semaphore, #tpu.memory_space<semaphore_mem>>)
      } else {
      }
      %add3A_189 = arith.constant 128 : i32
      %add3A_190 = arith.addi %scan3A_44, %add3A_189 : i32
      %sub3A_191 = arith.constant 1 : i32
      %sub3A_192 = arith.subi %add3A_190, %sub3A_191 : i32
      %jit3A_193 = arith.constant 128 : i32
      %div3A_194 = arith.divsi %sub3A_192, %jit3A_193 : i32
      %sign3A_195 = arith.constant 0 : i32
      %sign3A_196 = arith.cmpi sgt, %sub3A_192, %sign3A_195 : i32
      %sign3A_197 = arith.extui %sign3A_196 : i1 to i32
      %sign3A_198 = arith.constant 0 : i32
      %sign3A_199 = arith.cmpi slt, %sub3A_192, %sign3A_198 : i32
      %sign3A_200 = arith.extui %sign3A_199 : i1 to i32
      %sign3A_201 = arith.subi %sign3A_197, %sign3A_200 : i32
      %sign3A_202 = arith.constant 0 : i32
      %sign3A_203 = arith.cmpi sgt, %jit3A_193, %sign3A_202 : i32
      %sign3A_204 = arith.extui %sign3A_203 : i1 to i32
      %sign3A_205 = arith.constant 0 : i32
      %sign3A_206 = arith.cmpi slt, %jit3A_193, %sign3A_205 : i32
      %sign3A_207 = arith.extui %sign3A_206 : i1 to i32
      %sign3A_208 = arith.subi %sign3A_204, %sign3A_207 : i32
      %ne3A_209 = arith.cmpi ne, %sign3A_201, %sign3A_208 : i32
      %rem3A_210 = arith.remsi %sub3A_192, %jit3A_193 : i32
      %ne3A_211 = arith.constant 0 : i32
      %ne3A_212 = arith.cmpi ne, %rem3A_210, %ne3A_211 : i32
      %and3A_213 = arith.andi %ne3A_209, %ne3A_212 : i1
      %sub3A_214 = arith.constant 1 : i32
      %sub3A_215 = arith.subi %div3A_194, %sub3A_214 : i32
      %select_n3A_216 = arith.select %and3A_213, %sub3A_215, %div3A_194 : i32
      %while3A = arith.constant 0 : i32
      %while3A_217 = arith.constant 0 : i32
      %while3A_218 = arith.subi %select_n3A_216, %while3A : i32
      %while3A_219 = arith.addi %while3A, %while3A_218 : i32
      %while3A_220 = arith.constant 1 : i32
      %while3A_221 = arith.divsi %while3A_218, %while3A_220 : i32
      %while3A_222 = arith.muli %while3A_221, %while3A_220 : i32
      %while3A_223 = arith.addi %while3A, %while3A_222 : i32
      %while3A_224 = arith.constant 1 : i32
      %while3A_225 = scf.for %while3A_604 = %while3A to %while3A_223 step %while3A_224 iter_args(%while3A_605 = %while3A_217) -> (i32)  : i32 {
        %mul3A_606 = arith.constant 128 : i32
        %mul3A_607 = arith.muli %while3A_604, %mul3A_606 : i32
        %add3A_608 = arith.constant 0 : i32
        %add3A_609 = arith.addi %add3A_608, %mul3A_607 : i32
        %mul3A_610 = arith.constant 128 : i32
        %mul3A_611 = arith.muli %while3A_604, %mul3A_610 : i32
        %dma_start3A = tpu.memref_slice %arg11[%mul3A_611] : memref<5120xf32, #tpu.memory_space<vmem>> -> memref<128xf32, #tpu.memory_space<vmem>>
        %dma_start3A_612 = tpu.memref_slice %arg12[%add3A_609] : memref<1280xi32, #tpu.memory_space<vmem>> -> memref<128xi32, #tpu.memory_space<vmem>>
        %dma_start3A_613 = arith.constant 0 : i32
        %dma_start3A_614 = tpu.memref_slice %arg7[%dma_start3A_613] : memref<596096xf32, #tpu.memory_space<vmem_shared>> -> memref<596096xf32, #tpu.memory_space<vmem_shared>>
        tpu.enqueue_indirect_dma source(%dma_start3A_614 : memref<596096xf32, #tpu.memory_space<vmem_shared>>) target(%dma_start3A : memref<128xf32, #tpu.memory_space<vmem>>) offsets(%dma_start3A_612 : memref<128xi32, #tpu.memory_space<vmem>>) semaphore(%arg23 : memref<!tpu.dma_semaphore, #tpu.memory_space<semaphore_mem>>)
        %while3A_615 = arith.constant 0 : i32
        scf.yield %while3A_615 : i32
      }
      %while3A_226 = arith.constant 1 : i32
      %while3A_227 = scf.for %while3A_604 = %while3A_223 to %while3A_219 step %while3A_226 iter_args(%while3A_605 = %while3A_225) -> (i32)  : i32 {
        %mul3A_606 = arith.constant 128 : i32
        %mul3A_607 = arith.muli %while3A_604, %mul3A_606 : i32
        %add3A_608 = arith.constant 0 : i32
        %add3A_609 = arith.addi %add3A_608, %mul3A_607 : i32
        %mul3A_610 = arith.constant 128 : i32
        %mul3A_611 = arith.muli %while3A_604, %mul3A_610 : i32
        %dma_start3A = tpu.memref_slice %arg11[%mul3A_611] : memref<5120xf32, #tpu.memory_space<vmem>> -> memref<128xf32, #tpu.memory_space<vmem>>
        %dma_start3A_612 = tpu.memref_slice %arg12[%add3A_609] : memref<1280xi32, #tpu.memory_space<vmem>> -> memref<128xi32, #tpu.memory_space<vmem>>
        %dma_start3A_613 = arith.constant 0 : i32
        %dma_start3A_614 = tpu.memref_slice %arg7[%dma_start3A_613] : memref<596096xf32, #tpu.memory_space<vmem_shared>> -> memref<596096xf32, #tpu.memory_space<vmem_shared>>
        tpu.enqueue_indirect_dma source(%dma_start3A_614 : memref<596096xf32, #tpu.memory_space<vmem_shared>>) target(%dma_start3A : memref<128xf32, #tpu.memory_space<vmem>>) offsets(%dma_start3A_612 : memref<128xi32, #tpu.memory_space<vmem>>) semaphore(%arg23 : memref<!tpu.dma_semaphore, #tpu.memory_space<semaphore_mem>>)
        %while3A_615 = arith.constant 0 : i32
        scf.yield %while3A_615 : i32
      }
      %while3A_228 = arith.constant 0 : i32
      %while3A_229 = arith.constant 0 : i32
      %while3A_230 = arith.subi %select_n3A_216, %while3A_228 : i32
      %while3A_231 = arith.addi %while3A_228, %while3A_230 : i32
      %while3A_232 = arith.constant 1 : i32
      %while3A_233 = arith.divsi %while3A_230, %while3A_232 : i32
      %while3A_234 = arith.muli %while3A_233, %while3A_232 : i32
      %while3A_235 = arith.addi %while3A_228, %while3A_234 : i32
      %while3A_236 = arith.constant 1 : i32
      %while3A_237 = scf.for %while3A_604 = %while3A_228 to %while3A_235 step %while3A_236 iter_args(%while3A_605 = %while3A_229) -> (i32)  : i32 {
        %mul3A_606 = arith.constant 128 : i32
        %mul3A_607 = arith.muli %while3A_604, %mul3A_606 : i32
        %add3A_608 = arith.constant 0 : i32
        %add3A_609 = arith.addi %add3A_608, %mul3A_607 : i32
        %mul3A_610 = arith.constant 128 : i32
        %mul3A_611 = arith.muli %while3A_604, %mul3A_610 : i32
        %dma_wait3A = tpu.memref_slice %arg11[%mul3A_611] : memref<5120xf32, #tpu.memory_space<vmem>> -> memref<128xf32, #tpu.memory_space<vmem>>
        %dma_wait3A_612 = tpu.memref_slice %arg12[%add3A_609] : memref<1280xi32, #tpu.memory_space<vmem>> -> memref<128xi32, #tpu.memory_space<vmem>>
        %dma_wait3A_613 = arith.constant 0 : i32
        %dma_wait3A_614 = tpu.memref_slice %arg7[%dma_wait3A_613] : memref<596096xf32, #tpu.memory_space<vmem_shared>> -> memref<596096xf32, #tpu.memory_space<vmem_shared>>
        tpu.wait_indirect_dma semaphore(%arg23 : memref<!tpu.dma_semaphore, #tpu.memory_space<semaphore_mem>>) src(%dma_wait3A_614 : memref<596096xf32, #tpu.memory_space<vmem_shared>>) dst(%dma_wait3A : memref<128xf32, #tpu.memory_space<vmem>>)
        %while3A_615 = arith.constant 0 : i32
        scf.yield %while3A_615 : i32
      }
      %while3A_238 = arith.constant 1 : i32
      %while3A_239 = scf.for %while3A_604 = %while3A_235 to %while3A_231 step %while3A_238 iter_args(%while3A_605 = %while3A_237) -> (i32)  : i32 {
        %mul3A_606 = arith.constant 128 : i32
        %mul3A_607 = arith.muli %while3A_604, %mul3A_606 : i32
        %add3A_608 = arith.constant 0 : i32
        %add3A_609 = arith.addi %add3A_608, %mul3A_607 : i32
        %mul3A_610 = arith.constant 128 : i32
        %mul3A_611 = arith.muli %while3A_604, %mul3A_610 : i32
        %dma_wait3A = tpu.memref_slice %arg11[%mul3A_611] : memref<5120xf32, #tpu.memory_space<vmem>> -> memref<128xf32, #tpu.memory_space<vmem>>
        %dma_wait3A_612 = tpu.memref_slice %arg12[%add3A_609] : memref<1280xi32, #tpu.memory_space<vmem>> -> memref<128xi32, #tpu.memory_space<vmem>>
        %dma_wait3A_613 = arith.constant 0 : i32
        %dma_wait3A_614 = tpu.memref_slice %arg7[%dma_wait3A_613] : memref<596096xf32, #tpu.memory_space<vmem_shared>> -> memref<596096xf32, #tpu.memory_space<vmem_shared>>
        tpu.wait_indirect_dma semaphore(%arg23 : memref<!tpu.dma_semaphore, #tpu.memory_space<semaphore_mem>>) src(%dma_wait3A_614 : memref<596096xf32, #tpu.memory_space<vmem_shared>>) dst(%dma_wait3A : memref<128xf32, #tpu.memory_space<vmem>>)
        %while3A_615 = arith.constant 0 : i32
        scf.yield %while3A_615 : i32
      }
      %add3A_240 = arith.constant 15 : i32
      %add3A_241 = arith.addi %scan3A_44, %add3A_240 : i32
      %jit3A_242 = arith.constant 16 : i32
      %div3A_243 = arith.divsi %add3A_241, %jit3A_242 : i32
      %sign3A_244 = arith.constant 0 : i32
      %sign3A_245 = arith.cmpi sgt, %add3A_241, %sign3A_244 : i32
      %sign3A_246 = arith.extui %sign3A_245 : i1 to i32
      %sign3A_247 = arith.constant 0 : i32
      %sign3A_248 = arith.cmpi slt, %add3A_241, %sign3A_247 : i32
      %sign3A_249 = arith.extui %sign3A_248 : i1 to i32
      %sign3A_250 = arith.subi %sign3A_246, %sign3A_249 : i32
      %sign3A_251 = arith.constant 0 : i32
      %sign3A_252 = arith.cmpi sgt, %jit3A_242, %sign3A_251 : i32
      %sign3A_253 = arith.extui %sign3A_252 : i1 to i32
      %sign3A_254 = arith.constant 0 : i32
      %sign3A_255 = arith.cmpi slt, %jit3A_242, %sign3A_254 : i32
      %sign3A_256 = arith.extui %sign3A_255 : i1 to i32
      %sign3A_257 = arith.subi %sign3A_253, %sign3A_256 : i32
      %ne3A_258 = arith.cmpi ne, %sign3A_250, %sign3A_257 : i32
      %rem3A_259 = arith.remsi %add3A_241, %jit3A_242 : i32
      %ne3A_260 = arith.constant 0 : i32
      %ne3A_261 = arith.cmpi ne, %rem3A_259, %ne3A_260 : i32
      %and3A_262 = arith.andi %ne3A_258, %ne3A_261 : i1
      %sub3A_263 = arith.constant 1 : i32
      %sub3A_264 = arith.subi %div3A_243, %sub3A_263 : i32
      %select_n3A_265 = arith.select %and3A_262, %sub3A_264, %div3A_243 : i32
      %while3A_266 = arith.constant 0 : i32
      %while3A_267 = arith.constant 0 : i32
      %while3A_268 = arith.subi %select_n3A_265, %while3A_266 : i32
      %while3A_269 = arith.addi %while3A_266, %while3A_268 : i32
      %while3A_270 = arith.constant 1 : i32
      %while3A_271 = arith.divsi %while3A_268, %while3A_270 : i32
      %while3A_272 = arith.muli %while3A_271, %while3A_270 : i32
      %while3A_273 = arith.addi %while3A_266, %while3A_272 : i32
      %while3A_274 = arith.constant 1 : i32
      %while3A_275 = scf.for %while3A_604 = %while3A_266 to %while3A_273 step %while3A_274 iter_args(%while3A_605 = %while3A_267) -> (i32)  : i32 {
        %mul3A_606 = arith.constant 16 : i32
        %mul3A_607 = arith.muli %while3A_604, %mul3A_606 : i32
        %get3A = arith.index_cast %mul3A_607 : i32 to index
        %get3A_608 = tpu.vector_load %arg11[%get3A] {strides = array<i32>} : memref<5120xf32, #tpu.memory_space<vmem>>, vector<16xf32>,
        %mul3A_609 = arith.constant 16 : i32
        %mul3A_610 = arith.muli %while3A_604, %mul3A_609 : i32
        %add3A_611 = arith.constant 0 : i32
        %add3A_612 = arith.addi %add3A_611, %mul3A_610 : i32
        %get3A_613 = arith.index_cast %add3A_612 : i32 to index
        %get3A_614 = tpu.vector_load %arg13[%get3A_613] {strides = array<i32>} : memref<1280xi32, #tpu.memory_space<vmem>>, vector<16xi32>,
        %mul3A_615 = arith.constant 16 : i32
        %mul3A_616 = arith.muli %while3A_604, %mul3A_615 : i32
        %iota3A = tpu.iota {dimensions = array<i32: 0>} : vector<16xi32>
        %add3A_617 = vector.broadcast %mul3A_616 : i32 to vector<16xi32>
        %add3A_618 = arith.addi %add3A_617, %iota3A : vector<16xi32>
        %lt3A_619 = vector.broadcast %scan3A_44 : i32 to vector<16xi32>
        %lt3A_620 = arith.cmpi slt, %add3A_618, %lt3A_619 : vector<16xi32>
        tpu.vector_store_idx %arg16[%get3A_614], %get3A_608 masked %lt3A_620 : memref<1040xf32, #tpu.memory_space<vmem>>[vector<16xi32>], vector<16xf32>, vector<16xi1>
        %while3A_621 = arith.constant 0 : i32
        scf.yield %while3A_621 : i32
      }
      %while3A_276 = arith.constant 1 : i32
      %while3A_277 = scf.for %while3A_604 = %while3A_273 to %while3A_269 step %while3A_276 iter_args(%while3A_605 = %while3A_275) -> (i32)  : i32 {
        %mul3A_606 = arith.constant 16 : i32
        %mul3A_607 = arith.muli %while3A_604, %mul3A_606 : i32
        %get3A = arith.index_cast %mul3A_607 : i32 to index
        %get3A_608 = tpu.vector_load %arg11[%get3A] {strides = array<i32>} : memref<5120xf32, #tpu.memory_space<vmem>>, vector<16xf32>,
        %mul3A_609 = arith.constant 16 : i32
        %mul3A_610 = arith.muli %while3A_604, %mul3A_609 : i32
        %add3A_611 = arith.constant 0 : i32
        %add3A_612 = arith.addi %add3A_611, %mul3A_610 : i32
        %get3A_613 = arith.index_cast %add3A_612 : i32 to index
        %get3A_614 = tpu.vector_load %arg13[%get3A_613] {strides = array<i32>} : memref<1280xi32, #tpu.memory_space<vmem>>, vector<16xi32>,
        %mul3A_615 = arith.constant 16 : i32
        %mul3A_616 = arith.muli %while3A_604, %mul3A_615 : i32
        %iota3A = tpu.iota {dimensions = array<i32: 0>} : vector<16xi32>
        %add3A_617 = vector.broadcast %mul3A_616 : i32 to vector<16xi32>
        %add3A_618 = arith.addi %add3A_617, %iota3A : vector<16xi32>
        %lt3A_619 = vector.broadcast %scan3A_44 : i32 to vector<16xi32>
        %lt3A_620 = arith.cmpi slt, %add3A_618, %lt3A_619 : vector<16xi32>
        tpu.vector_store_idx %arg16[%get3A_614], %get3A_608 masked %lt3A_620 : memref<1040xf32, #tpu.memory_space<vmem>>[vector<16xi32>], vector<16xf32>, vector<16xi1>
        %while3A_621 = arith.constant 0 : i32
        scf.yield %while3A_621 : i32
      }
      %eq3A_278 = arith.constant 1 : i32
      %eq3A_279 = arith.cmpi eq, %arg1, %eq3A_278 : i32
      %convert_element_type3A_280 = arith.extui %eq3A_279 : i1 to i32
      %cond3A_281 = arith.constant 0 : i32
      %cond3A_282 = arith.cmpi ne, %convert_element_type3A_280, %cond3A_281 : i32
      scf.if %cond3A_282 {
        %dma_wait3A = arith.constant 0 : i32
        %dma_wait3A_604 = tpu.memref_slice %arg2[%add3A_177, %dma_wait3A] : memref<64x1000000xf32, #tpu.memory_space<hbm>> -> memref<1x1000000xf32, #tpu.memory_space<hbm>>
        %dma_wait3A_605 = tpu.memref_squeeze %dma_wait3A_604 : memref<1x1000000xf32, #tpu.memory_space<hbm>> -> memref<1000000xf32, #tpu.memory_space<hbm>>
        %dma_wait3A_606 = arith.constant 596096 : i32
        %dma_wait3A_607 = tpu.memref_slice %dma_wait3A_605[%dma_wait3A_606] : memref<1000000xf32, #tpu.memory_space<hbm>> -> memref<403904xf32, #tpu.memory_space<hbm>>
        tpu.wait_dma2 semaphore(%arg20 : memref<!tpu.dma_semaphore, #tpu.memory_space<semaphore_mem>>) src(%dma_wait3A_607 : memref<403904xf32, #tpu.memory_space<hbm>>) dst(%arg9 : memref<403904xf32, #tpu.memory_space<vmem_shared>>)
      } else {
      }
      %barrier3A_283 = arith.constant 0 : index
      tpu.barrier barrier_id(%barrier3A_283)
      %sub3A_284 = arith.constant 1024 : i32
      %sub3A_285 = arith.subi %sub3A_284, %scan3A_44 : i32
      %add3A_286 = arith.constant 128 : i32
      %add3A_287 = arith.addi %sub3A_285, %add3A_286 : i32
      %sub3A_288 = arith.constant 1 : i32
      %sub3A_289 = arith.subi %add3A_287, %sub3A_288 : i32
      %jit3A_290 = arith.constant 128 : i32
      %div3A_291 = arith.divsi %sub3A_289, %jit3A_290 : i32
      %sign3A_292 = arith.constant 0 : i32
      %sign3A_293 = arith.cmpi sgt, %sub3A_289, %sign3A_292 : i32
      %sign3A_294 = arith.extui %sign3A_293 : i1 to i32
      %sign3A_295 = arith.constant 0 : i32
      %sign3A_296 = arith.cmpi slt, %sub3A_289, %sign3A_295 : i32
      %sign3A_297 = arith.extui %sign3A_296 : i1 to i32
      %sign3A_298 = arith.subi %sign3A_294, %sign3A_297 : i32
      %sign3A_299 = arith.constant 0 : i32
      %sign3A_300 = arith.cmpi sgt, %jit3A_290, %sign3A_299 : i32
      %sign3A_301 = arith.extui %sign3A_300 : i1 to i32
      %sign3A_302 = arith.constant 0 : i32
      %sign3A_303 = arith.cmpi slt, %jit3A_290, %sign3A_302 : i32
      %sign3A_304 = arith.extui %sign3A_303 : i1 to i32
      %sign3A_305 = arith.subi %sign3A_301, %sign3A_304 : i32
      %ne3A_306 = arith.cmpi ne, %sign3A_298, %sign3A_305 : i32
      %rem3A_307 = arith.remsi %sub3A_289, %jit3A_290 : i32
      %ne3A_308 = arith.constant 0 : i32
      %ne3A_309 = arith.cmpi ne, %rem3A_307, %ne3A_308 : i32
      %and3A_310 = arith.andi %ne3A_306, %ne3A_309 : i1
      %sub3A_311 = arith.constant 1 : i32
      %sub3A_312 = arith.subi %div3A_291, %sub3A_311 : i32
      %select_n3A_313 = arith.select %and3A_310, %sub3A_312, %div3A_291 : i32
      %while3A_314 = arith.constant 0 : i32
      %while3A_315 = arith.constant 0 : i32
      %while3A_316 = arith.subi %select_n3A_313, %while3A_314 : i32
      %while3A_317 = arith.addi %while3A_314, %while3A_316 : i32
      %while3A_318 = arith.constant 1 : i32
      %while3A_319 = arith.divsi %while3A_316, %while3A_318 : i32
      %while3A_320 = arith.muli %while3A_319, %while3A_318 : i32
      %while3A_321 = arith.addi %while3A_314, %while3A_320 : i32
      %while3A_322 = arith.constant 1 : i32
      %while3A_323 = scf.for %while3A_604 = %while3A_314 to %while3A_321 step %while3A_322 iter_args(%while3A_605 = %while3A_315) -> (i32)  : i32 {
        %mul3A_606 = arith.constant 128 : i32
        %mul3A_607 = arith.muli %while3A_604, %mul3A_606 : i32
        %add3A_608 = arith.addi %mul3A_67, %mul3A_607 : i32
        %mul3A_609 = arith.constant 128 : i32
        %mul3A_610 = arith.muli %while3A_604, %mul3A_609 : i32
        %dma_start3A = tpu.memref_slice %arg11[%mul3A_610] : memref<5120xf32, #tpu.memory_space<vmem>> -> memref<128xf32, #tpu.memory_space<vmem>>
        %dma_start3A_611 = tpu.memref_slice %arg12[%add3A_608] : memref<1280xi32, #tpu.memory_space<vmem>> -> memref<128xi32, #tpu.memory_space<vmem>>
        %dma_start3A_612 = arith.constant 0 : i32
        %dma_start3A_613 = tpu.memref_slice %arg9[%dma_start3A_612] : memref<403904xf32, #tpu.memory_space<vmem_shared>> -> memref<403904xf32, #tpu.memory_space<vmem_shared>>
        tpu.enqueue_indirect_dma source(%dma_start3A_613 : memref<403904xf32, #tpu.memory_space<vmem_shared>>) target(%dma_start3A : memref<128xf32, #tpu.memory_space<vmem>>) offsets(%dma_start3A_611 : memref<128xi32, #tpu.memory_space<vmem>>) semaphore(%arg23 : memref<!tpu.dma_semaphore, #tpu.memory_space<semaphore_mem>>)
        %while3A_614 = arith.constant 0 : i32
        scf.yield %while3A_614 : i32
      }
      %while3A_324 = arith.constant 1 : i32
      %while3A_325 = scf.for %while3A_604 = %while3A_321 to %while3A_317 step %while3A_324 iter_args(%while3A_605 = %while3A_323) -> (i32)  : i32 {
        %mul3A_606 = arith.constant 128 : i32
        %mul3A_607 = arith.muli %while3A_604, %mul3A_606 : i32
        %add3A_608 = arith.addi %mul3A_67, %mul3A_607 : i32
        %mul3A_609 = arith.constant 128 : i32
        %mul3A_610 = arith.muli %while3A_604, %mul3A_609 : i32
        %dma_start3A = tpu.memref_slice %arg11[%mul3A_610] : memref<5120xf32, #tpu.memory_space<vmem>> -> memref<128xf32, #tpu.memory_space<vmem>>
        %dma_start3A_611 = tpu.memref_slice %arg12[%add3A_608] : memref<1280xi32, #tpu.memory_space<vmem>> -> memref<128xi32, #tpu.memory_space<vmem>>
        %dma_start3A_612 = arith.constant 0 : i32
        %dma_start3A_613 = tpu.memref_slice %arg9[%dma_start3A_612] : memref<403904xf32, #tpu.memory_space<vmem_shared>> -> memref<403904xf32, #tpu.memory_space<vmem_shared>>
        tpu.enqueue_indirect_dma source(%dma_start3A_613 : memref<403904xf32, #tpu.memory_space<vmem_shared>>) target(%dma_start3A : memref<128xf32, #tpu.memory_space<vmem>>) offsets(%dma_start3A_611 : memref<128xi32, #tpu.memory_space<vmem>>) semaphore(%arg23 : memref<!tpu.dma_semaphore, #tpu.memory_space<semaphore_mem>>)
        %while3A_614 = arith.constant 0 : i32
        scf.yield %while3A_614 : i32
      }
      %while3A_326 = arith.constant 0 : i32
      %while3A_327 = arith.constant 0 : i32
      %while3A_328 = arith.subi %select_n3A_313, %while3A_326 : i32
      %while3A_329 = arith.addi %while3A_326, %while3A_328 : i32
      %while3A_330 = arith.constant 1 : i32
      %while3A_331 = arith.divsi %while3A_328, %while3A_330 : i32
      %while3A_332 = arith.muli %while3A_331, %while3A_330 : i32
      %while3A_333 = arith.addi %while3A_326, %while3A_332 : i32
      %while3A_334 = arith.constant 1 : i32
      %while3A_335 = scf.for %while3A_604 = %while3A_326 to %while3A_333 step %while3A_334 iter_args(%while3A_605 = %while3A_327) -> (i32)  : i32 {
        %mul3A_606 = arith.constant 128 : i32
        %mul3A_607 = arith.muli %while3A_604, %mul3A_606 : i32
        %add3A_608 = arith.addi %mul3A_67, %mul3A_607 : i32
        %mul3A_609 = arith.constant 128 : i32
        %mul3A_610 = arith.muli %while3A_604, %mul3A_609 : i32
        %dma_wait3A = tpu.memref_slice %arg11[%mul3A_610] : memref<5120xf32, #tpu.memory_space<vmem>> -> memref<128xf32, #tpu.memory_space<vmem>>
        %dma_wait3A_611 = tpu.memref_slice %arg12[%add3A_608] : memref<1280xi32, #tpu.memory_space<vmem>> -> memref<128xi32, #tpu.memory_space<vmem>>
        %dma_wait3A_612 = arith.constant 0 : i32
        %dma_wait3A_613 = tpu.memref_slice %arg9[%dma_wait3A_612] : memref<403904xf32, #tpu.memory_space<vmem_shared>> -> memref<403904xf32, #tpu.memory_space<vmem_shared>>
        tpu.wait_indirect_dma semaphore(%arg23 : memref<!tpu.dma_semaphore, #tpu.memory_space<semaphore_mem>>) src(%dma_wait3A_613 : memref<403904xf32, #tpu.memory_space<vmem_shared>>) dst(%dma_wait3A : memref<128xf32, #tpu.memory_space<vmem>>)
        %while3A_614 = arith.constant 0 : i32
        scf.yield %while3A_614 : i32
      }
      %while3A_336 = arith.constant 1 : i32
      %while3A_337 = scf.for %while3A_604 = %while3A_333 to %while3A_329 step %while3A_336 iter_args(%while3A_605 = %while3A_335) -> (i32)  : i32 {
        %mul3A_606 = arith.constant 128 : i32
        %mul3A_607 = arith.muli %while3A_604, %mul3A_606 : i32
        %add3A_608 = arith.addi %mul3A_67, %mul3A_607 : i32
        %mul3A_609 = arith.constant 128 : i32
        %mul3A_610 = arith.muli %while3A_604, %mul3A_609 : i32
        %dma_wait3A = tpu.memref_slice %arg11[%mul3A_610] : memref<5120xf32, #tpu.memory_space<vmem>> -> memref<128xf32, #tpu.memory_space<vmem>>
        %dma_wait3A_611 = tpu.memref_slice %arg12[%add3A_608] : memref<1280xi32, #tpu.memory_space<vmem>> -> memref<128xi32, #tpu.memory_space<vmem>>
        %dma_wait3A_612 = arith.constant 0 : i32
        %dma_wait3A_613 = tpu.memref_slice %arg9[%dma_wait3A_612] : memref<403904xf32, #tpu.memory_space<vmem_shared>> -> memref<403904xf32, #tpu.memory_space<vmem_shared>>
        tpu.wait_indirect_dma semaphore(%arg23 : memref<!tpu.dma_semaphore, #tpu.memory_space<semaphore_mem>>) src(%dma_wait3A_613 : memref<403904xf32, #tpu.memory_space<vmem_shared>>) dst(%dma_wait3A : memref<128xf32, #tpu.memory_space<vmem>>)
        %while3A_614 = arith.constant 0 : i32
        scf.yield %while3A_614 : i32
      }
      %add3A_338 = arith.constant 15 : i32
      %add3A_339 = arith.addi %sub3A_285, %add3A_338 : i32
      %jit3A_340 = arith.constant 16 : i32
      %div3A_341 = arith.divsi %add3A_339, %jit3A_340 : i32
      %sign3A_342 = arith.constant 0 : i32
      %sign3A_343 = arith.cmpi sgt, %add3A_339, %sign3A_342 : i32
      %sign3A_344 = arith.extui %sign3A_343 : i1 to i32
      %sign3A_345 = arith.constant 0 : i32
      %sign3A_346 = arith.cmpi slt, %add3A_339, %sign3A_345 : i32
      %sign3A_347 = arith.extui %sign3A_346 : i1 to i32
      %sign3A_348 = arith.subi %sign3A_344, %sign3A_347 : i32
      %sign3A_349 = arith.constant 0 : i32
      %sign3A_350 = arith.cmpi sgt, %jit3A_340, %sign3A_349 : i32
      %sign3A_351 = arith.extui %sign3A_350 : i1 to i32
      %sign3A_352 = arith.constant 0 : i32
      %sign3A_353 = arith.cmpi slt, %jit3A_340, %sign3A_352 : i32
      %sign3A_354 = arith.extui %sign3A_353 : i1 to i32
      %sign3A_355 = arith.subi %sign3A_351, %sign3A_354 : i32
      %ne3A_356 = arith.cmpi ne, %sign3A_348, %sign3A_355 : i32
      %rem3A_357 = arith.remsi %add3A_339, %jit3A_340 : i32
      %ne3A_358 = arith.constant 0 : i32
      %ne3A_359 = arith.cmpi ne, %rem3A_357, %ne3A_358 : i32
      %and3A_360 = arith.andi %ne3A_356, %ne3A_359 : i1
      %sub3A_361 = arith.constant 1 : i32
      %sub3A_362 = arith.subi %div3A_341, %sub3A_361 : i32
      %select_n3A_363 = arith.select %and3A_360, %sub3A_362, %div3A_341 : i32
      %while3A_364 = arith.constant 0 : i32
      %while3A_365 = arith.constant 0 : i32
      %while3A_366 = arith.subi %select_n3A_363, %while3A_364 : i32
      %while3A_367 = arith.addi %while3A_364, %while3A_366 : i32
      %while3A_368 = arith.constant 1 : i32
      %while3A_369 = arith.divsi %while3A_366, %while3A_368 : i32
      %while3A_370 = arith.muli %while3A_369, %while3A_368 : i32
      %while3A_371 = arith.addi %while3A_364, %while3A_370 : i32
      %while3A_372 = arith.constant 1 : i32
      %while3A_373 = scf.for %while3A_604 = %while3A_364 to %while3A_371 step %while3A_372 iter_args(%while3A_605 = %while3A_365) -> (i32)  : i32 {
        %mul3A_606 = arith.constant 16 : i32
        %mul3A_607 = arith.muli %while3A_604, %mul3A_606 : i32
        %get3A = arith.index_cast %mul3A_607 : i32 to index
        %get3A_608 = tpu.vector_load %arg11[%get3A] {strides = array<i32>} : memref<5120xf32, #tpu.memory_space<vmem>>, vector<16xf32>,
        %mul3A_609 = arith.constant 16 : i32
        %mul3A_610 = arith.muli %while3A_604, %mul3A_609 : i32
        %add3A_611 = arith.addi %mul3A_67, %mul3A_610 : i32
        %get3A_612 = arith.index_cast %add3A_611 : i32 to index
        %get3A_613 = tpu.vector_load %arg13[%get3A_612] {strides = array<i32>} : memref<1280xi32, #tpu.memory_space<vmem>>, vector<16xi32>,
        %mul3A_614 = arith.constant 16 : i32
        %mul3A_615 = arith.muli %while3A_604, %mul3A_614 : i32
        %iota3A = tpu.iota {dimensions = array<i32: 0>} : vector<16xi32>
        %add3A_616 = vector.broadcast %mul3A_615 : i32 to vector<16xi32>
        %add3A_617 = arith.addi %add3A_616, %iota3A : vector<16xi32>
        %lt3A_618 = vector.broadcast %sub3A_285 : i32 to vector<16xi32>
        %lt3A_619 = arith.cmpi slt, %add3A_617, %lt3A_618 : vector<16xi32>
        tpu.vector_store_idx %arg16[%get3A_613], %get3A_608 masked %lt3A_619 : memref<1040xf32, #tpu.memory_space<vmem>>[vector<16xi32>], vector<16xf32>, vector<16xi1>
        %while3A_620 = arith.constant 0 : i32
        scf.yield %while3A_620 : i32
      }
      %while3A_374 = arith.constant 1 : i32
      %while3A_375 = scf.for %while3A_604 = %while3A_371 to %while3A_367 step %while3A_374 iter_args(%while3A_605 = %while3A_373) -> (i32)  : i32 {
        %mul3A_606 = arith.constant 16 : i32
        %mul3A_607 = arith.muli %while3A_604, %mul3A_606 : i32
        %get3A = arith.index_cast %mul3A_607 : i32 to index
        %get3A_608 = tpu.vector_load %arg11[%get3A] {strides = array<i32>} : memref<5120xf32, #tpu.memory_space<vmem>>, vector<16xf32>,
        %mul3A_609 = arith.constant 16 : i32
        %mul3A_610 = arith.muli %while3A_604, %mul3A_609 : i32
        %add3A_611 = arith.addi %mul3A_67, %mul3A_610 : i32
        %get3A_612 = arith.index_cast %add3A_611 : i32 to index
        %get3A_613 = tpu.vector_load %arg13[%get3A_612] {strides = array<i32>} : memref<1280xi32, #tpu.memory_space<vmem>>, vector<16xi32>,
        %mul3A_614 = arith.constant 16 : i32
        %mul3A_615 = arith.muli %while3A_604, %mul3A_614 : i32
        %iota3A = tpu.iota {dimensions = array<i32: 0>} : vector<16xi32>
        %add3A_616 = vector.broadcast %mul3A_615 : i32 to vector<16xi32>
        %add3A_617 = arith.addi %add3A_616, %iota3A : vector<16xi32>
        %lt3A_618 = vector.broadcast %sub3A_285 : i32 to vector<16xi32>
        %lt3A_619 = arith.cmpi slt, %add3A_617, %lt3A_618 : vector<16xi32>
        tpu.vector_store_idx %arg16[%get3A_613], %get3A_608 masked %lt3A_619 : memref<1040xf32, #tpu.memory_space<vmem>>[vector<16xi32>], vector<16xf32>, vector<16xi1>
        %while3A_620 = arith.constant 0 : i32
        scf.yield %while3A_620 : i32
      }
      %barrier3A_376 = arith.constant 0 : index
      tpu.barrier barrier_id(%barrier3A_376)
      %eq3A_377 = arith.constant 3 : i32
      %eq3A_378 = arith.cmpi eq, %arg1, %eq3A_377 : i32
      %convert_element_type3A_379 = arith.extui %eq3A_378 : i1 to i32
      %cond3A_380 = arith.constant 0 : i32
      %cond3A_381 = arith.cmpi ne, %convert_element_type3A_379, %cond3A_380 : i32
      scf.if %cond3A_381 {
        %dma_start3A = arith.constant 0 : i32
        %dma_start3A_604 = tpu.memref_slice %arg3[%add3A_177, %dma_start3A] : memref<64x1000000xf32, #tpu.memory_space<hbm>> -> memref<1x1000000xf32, #tpu.memory_space<hbm>>
        %dma_start3A_605 = tpu.memref_squeeze %dma_start3A_604 : memref<1x1000000xf32, #tpu.memory_space<hbm>> -> memref<1000000xf32, #tpu.memory_space<hbm>>
        %dma_start3A_606 = arith.constant 596096 : i32
        %dma_start3A_607 = tpu.memref_slice %dma_start3A_605[%dma_start3A_606] : memref<1000000xf32, #tpu.memory_space<hbm>> -> memref<403904xf32, #tpu.memory_space<hbm>>
        tpu.enqueue_dma source(%dma_start3A_607 : memref<403904xf32, #tpu.memory_space<hbm>>) target(%arg9 : memref<403904xf32, #tpu.memory_space<vmem_shared>>) target_semaphore(%arg22 : memref<!tpu.dma_semaphore, #tpu.memory_space<semaphore_mem>>)
      } else {
      }
      %eq3A_382 = arith.constant 2 : i32
      %eq3A_383 = arith.cmpi eq, %arg1, %eq3A_382 : i32
      %convert_element_type3A_384 = arith.extui %eq3A_383 : i1 to i32
      %cond3A_385 = arith.constant 0 : i32
      %cond3A_386 = arith.cmpi ne, %convert_element_type3A_384, %cond3A_385 : i32
      scf.if %cond3A_386 {
        %dma_wait3A = arith.constant 0 : i32
        %dma_wait3A_604 = tpu.memref_slice %arg3[%add3A_177, %dma_wait3A] : memref<64x1000000xf32, #tpu.memory_space<hbm>> -> memref<1x1000000xf32, #tpu.memory_space<hbm>>
        %dma_wait3A_605 = tpu.memref_squeeze %dma_wait3A_604 : memref<1x1000000xf32, #tpu.memory_space<hbm>> -> memref<1000000xf32, #tpu.memory_space<hbm>>
        %dma_wait3A_606 = arith.constant 0 : i32
        %dma_wait3A_607 = tpu.memref_slice %dma_wait3A_605[%dma_wait3A_606] : memref<1000000xf32, #tpu.memory_space<hbm>> -> memref<596096xf32, #tpu.memory_space<hbm>>
        tpu.wait_dma2 semaphore(%arg21 : memref<!tpu.dma_semaphore, #tpu.memory_space<semaphore_mem>>) src(%dma_wait3A_607 : memref<596096xf32, #tpu.memory_space<hbm>>) dst(%arg8 : memref<596096xf32, #tpu.memory_space<vmem_shared>>)
      } else {
      }
      %barrier3A_387 = arith.constant 0 : index
      tpu.barrier barrier_id(%barrier3A_387)
      %eq3A_388 = arith.constant 0 : i32
      %eq3A_389 = arith.cmpi eq, %arg1, %eq3A_388 : i32
      %add3A_390 = arith.constant 1 : i32
      %add3A_391 = arith.addi %scan3A_175, %add3A_390 : i32
      %lt3A = arith.constant 32 : i32
      %lt3A_392 = arith.cmpi slt, %add3A_391, %lt3A : i32
      %and3A_393 = arith.andi %eq3A_389, %lt3A_392 : i1
      %convert_element_type3A_394 = arith.extui %and3A_393 : i1 to i32
      %cond3A_395 = arith.constant 0 : i32
      %cond3A_396 = arith.cmpi ne, %convert_element_type3A_394, %cond3A_395 : i32
      scf.if %cond3A_396 {
        %add3A_604 = arith.constant 1 : i32
        %add3A_605 = arith.addi %add3A_177, %add3A_604 : i32
        %dma_start3A = arith.constant 0 : i32
        %dma_start3A_606 = tpu.memref_slice %arg2[%add3A_605, %dma_start3A] : memref<64x1000000xf32, #tpu.memory_space<hbm>> -> memref<1x1000000xf32, #tpu.memory_space<hbm>>
        %dma_start3A_607 = tpu.memref_squeeze %dma_start3A_606 : memref<1x1000000xf32, #tpu.memory_space<hbm>> -> memref<1000000xf32, #tpu.memory_space<hbm>>
        %dma_start3A_608 = arith.constant 0 : i32
        %dma_start3A_609 = tpu.memref_slice %dma_start3A_607[%dma_start3A_608] : memref<1000000xf32, #tpu.memory_space<hbm>> -> memref<596096xf32, #tpu.memory_space<hbm>>
        tpu.enqueue_dma source(%dma_start3A_609 : memref<596096xf32, #tpu.memory_space<hbm>>) target(%arg7 : memref<596096xf32, #tpu.memory_space<vmem_shared>>) target_semaphore(%arg19 : memref<!tpu.dma_semaphore, #tpu.memory_space<semaphore_mem>>)
      } else {
      }
      %add3A_397 = arith.constant 128 : i32
      %add3A_398 = arith.addi %scan3A_80, %add3A_397 : i32
      %sub3A_399 = arith.constant 1 : i32
      %sub3A_400 = arith.subi %add3A_398, %sub3A_399 : i32
      %jit3A_401 = arith.constant 128 : i32
      %div3A_402 = arith.divsi %sub3A_400, %jit3A_401 : i32
      %sign3A_403 = arith.constant 0 : i32
      %sign3A_404 = arith.cmpi sgt, %sub3A_400, %sign3A_403 : i32
      %sign3A_405 = arith.extui %sign3A_404 : i1 to i32
      %sign3A_406 = arith.constant 0 : i32
      %sign3A_407 = arith.cmpi slt, %sub3A_400, %sign3A_406 : i32
      %sign3A_408 = arith.extui %sign3A_407 : i1 to i32
      %sign3A_409 = arith.subi %sign3A_405, %sign3A_408 : i32
      %sign3A_410 = arith.constant 0 : i32
      %sign3A_411 = arith.cmpi sgt, %jit3A_401, %sign3A_410 : i32
      %sign3A_412 = arith.extui %sign3A_411 : i1 to i32
      %sign3A_413 = arith.constant 0 : i32
      %sign3A_414 = arith.cmpi slt, %jit3A_401, %sign3A_413 : i32
      %sign3A_415 = arith.extui %sign3A_414 : i1 to i32
      %sign3A_416 = arith.subi %sign3A_412, %sign3A_415 : i32
      %ne3A_417 = arith.cmpi ne, %sign3A_409, %sign3A_416 : i32
      %rem3A_418 = arith.remsi %sub3A_400, %jit3A_401 : i32
      %ne3A_419 = arith.constant 0 : i32
      %ne3A_420 = arith.cmpi ne, %rem3A_418, %ne3A_419 : i32
      %and3A_421 = arith.andi %ne3A_417, %ne3A_420 : i1
      %sub3A_422 = arith.constant 1 : i32
      %sub3A_423 = arith.subi %div3A_402, %sub3A_422 : i32
      %select_n3A_424 = arith.select %and3A_421, %sub3A_423, %div3A_402 : i32
      %while3A_425 = arith.constant 0 : i32
      %while3A_426 = arith.constant 0 : i32
      %while3A_427 = arith.subi %select_n3A_424, %while3A_425 : i32
      %while3A_428 = arith.addi %while3A_425, %while3A_427 : i32
      %while3A_429 = arith.constant 1 : i32
      %while3A_430 = arith.divsi %while3A_427, %while3A_429 : i32
      %while3A_431 = arith.muli %while3A_430, %while3A_429 : i32
      %while3A_432 = arith.addi %while3A_425, %while3A_431 : i32
      %while3A_433 = arith.constant 1 : i32
      %while3A_434 = scf.for %while3A_604 = %while3A_425 to %while3A_432 step %while3A_433 iter_args(%while3A_605 = %while3A_426) -> (i32)  : i32 {
        %mul3A_606 = arith.constant 128 : i32
        %mul3A_607 = arith.muli %while3A_604, %mul3A_606 : i32
        %add3A_608 = arith.constant 0 : i32
        %add3A_609 = arith.addi %add3A_608, %mul3A_607 : i32
        %mul3A_610 = arith.constant 128 : i32
        %mul3A_611 = arith.muli %while3A_604, %mul3A_610 : i32
        %dma_start3A = tpu.memref_slice %arg11[%mul3A_611] : memref<5120xf32, #tpu.memory_space<vmem>> -> memref<128xf32, #tpu.memory_space<vmem>>
        %dma_start3A_612 = tpu.memref_slice %arg14[%add3A_609] : memref<5376xi32, #tpu.memory_space<vmem>> -> memref<128xi32, #tpu.memory_space<vmem>>
        %dma_start3A_613 = arith.constant 0 : i32
        %dma_start3A_614 = tpu.memref_slice %arg8[%dma_start3A_613] : memref<596096xf32, #tpu.memory_space<vmem_shared>> -> memref<596096xf32, #tpu.memory_space<vmem_shared>>
        tpu.enqueue_indirect_dma source(%dma_start3A_614 : memref<596096xf32, #tpu.memory_space<vmem_shared>>) target(%dma_start3A : memref<128xf32, #tpu.memory_space<vmem>>) offsets(%dma_start3A_612 : memref<128xi32, #tpu.memory_space<vmem>>) semaphore(%arg23 : memref<!tpu.dma_semaphore, #tpu.memory_space<semaphore_mem>>)
        %while3A_615 = arith.constant 0 : i32
        scf.yield %while3A_615 : i32
      }
      %while3A_435 = arith.constant 1 : i32
      %while3A_436 = scf.for %while3A_604 = %while3A_432 to %while3A_428 step %while3A_435 iter_args(%while3A_605 = %while3A_434) -> (i32)  : i32 {
        %mul3A_606 = arith.constant 128 : i32
        %mul3A_607 = arith.muli %while3A_604, %mul3A_606 : i32
        %add3A_608 = arith.constant 0 : i32
        %add3A_609 = arith.addi %add3A_608, %mul3A_607 : i32
        %mul3A_610 = arith.constant 128 : i32
        %mul3A_611 = arith.muli %while3A_604, %mul3A_610 : i32
        %dma_start3A = tpu.memref_slice %arg11[%mul3A_611] : memref<5120xf32, #tpu.memory_space<vmem>> -> memref<128xf32, #tpu.memory_space<vmem>>
        %dma_start3A_612 = tpu.memref_slice %arg14[%add3A_609] : memref<5376xi32, #tpu.memory_space<vmem>> -> memref<128xi32, #tpu.memory_space<vmem>>
        %dma_start3A_613 = arith.constant 0 : i32
        %dma_start3A_614 = tpu.memref_slice %arg8[%dma_start3A_613] : memref<596096xf32, #tpu.memory_space<vmem_shared>> -> memref<596096xf32, #tpu.memory_space<vmem_shared>>
        tpu.enqueue_indirect_dma source(%dma_start3A_614 : memref<596096xf32, #tpu.memory_space<vmem_shared>>) target(%dma_start3A : memref<128xf32, #tpu.memory_space<vmem>>) offsets(%dma_start3A_612 : memref<128xi32, #tpu.memory_space<vmem>>) semaphore(%arg23 : memref<!tpu.dma_semaphore, #tpu.memory_space<semaphore_mem>>)
        %while3A_615 = arith.constant 0 : i32
        scf.yield %while3A_615 : i32
      }
      %while3A_437 = arith.constant 0 : i32
      %while3A_438 = arith.constant 0 : i32
      %while3A_439 = arith.subi %select_n3A_424, %while3A_437 : i32
      %while3A_440 = arith.addi %while3A_437, %while3A_439 : i32
      %while3A_441 = arith.constant 1 : i32
      %while3A_442 = arith.divsi %while3A_439, %while3A_441 : i32
      %while3A_443 = arith.muli %while3A_442, %while3A_441 : i32
      %while3A_444 = arith.addi %while3A_437, %while3A_443 : i32
      %while3A_445 = arith.constant 1 : i32
      %while3A_446 = scf.for %while3A_604 = %while3A_437 to %while3A_444 step %while3A_445 iter_args(%while3A_605 = %while3A_438) -> (i32)  : i32 {
        %mul3A_606 = arith.constant 128 : i32
        %mul3A_607 = arith.muli %while3A_604, %mul3A_606 : i32
        %add3A_608 = arith.constant 0 : i32
        %add3A_609 = arith.addi %add3A_608, %mul3A_607 : i32
        %mul3A_610 = arith.constant 128 : i32
        %mul3A_611 = arith.muli %while3A_604, %mul3A_610 : i32
        %dma_wait3A = tpu.memref_slice %arg11[%mul3A_611] : memref<5120xf32, #tpu.memory_space<vmem>> -> memref<128xf32, #tpu.memory_space<vmem>>
        %dma_wait3A_612 = tpu.memref_slice %arg14[%add3A_609] : memref<5376xi32, #tpu.memory_space<vmem>> -> memref<128xi32, #tpu.memory_space<vmem>>
        %dma_wait3A_613 = arith.constant 0 : i32
        %dma_wait3A_614 = tpu.memref_slice %arg8[%dma_wait3A_613] : memref<596096xf32, #tpu.memory_space<vmem_shared>> -> memref<596096xf32, #tpu.memory_space<vmem_shared>>
        tpu.wait_indirect_dma semaphore(%arg23 : memref<!tpu.dma_semaphore, #tpu.memory_space<semaphore_mem>>) src(%dma_wait3A_614 : memref<596096xf32, #tpu.memory_space<vmem_shared>>) dst(%dma_wait3A : memref<128xf32, #tpu.memory_space<vmem>>)
        %while3A_615 = arith.constant 0 : i32
        scf.yield %while3A_615 : i32
      }
      %while3A_447 = arith.constant 1 : i32
      %while3A_448 = scf.for %while3A_604 = %while3A_444 to %while3A_440 step %while3A_447 iter_args(%while3A_605 = %while3A_446) -> (i32)  : i32 {
        %mul3A_606 = arith.constant 128 : i32
        %mul3A_607 = arith.muli %while3A_604, %mul3A_606 : i32
        %add3A_608 = arith.constant 0 : i32
        %add3A_609 = arith.addi %add3A_608, %mul3A_607 : i32
        %mul3A_610 = arith.constant 128 : i32
        %mul3A_611 = arith.muli %while3A_604, %mul3A_610 : i32
        %dma_wait3A = tpu.memref_slice %arg11[%mul3A_611] : memref<5120xf32, #tpu.memory_space<vmem>> -> memref<128xf32, #tpu.memory_space<vmem>>
        %dma_wait3A_612 = tpu.memref_slice %arg14[%add3A_609] : memref<5376xi32, #tpu.memory_space<vmem>> -> memref<128xi32, #tpu.memory_space<vmem>>
        %dma_wait3A_613 = arith.constant 0 : i32
        %dma_wait3A_614 = tpu.memref_slice %arg8[%dma_wait3A_613] : memref<596096xf32, #tpu.memory_space<vmem_shared>> -> memref<596096xf32, #tpu.memory_space<vmem_shared>>
        tpu.wait_indirect_dma semaphore(%arg23 : memref<!tpu.dma_semaphore, #tpu.memory_space<semaphore_mem>>) src(%dma_wait3A_614 : memref<596096xf32, #tpu.memory_space<vmem_shared>>) dst(%dma_wait3A : memref<128xf32, #tpu.memory_space<vmem>>)
        %while3A_615 = arith.constant 0 : i32
        scf.yield %while3A_615 : i32
      }
      %add3A_449 = arith.constant 15 : i32
      %add3A_450 = arith.addi %scan3A_80, %add3A_449 : i32
      %jit3A_451 = arith.constant 16 : i32
      %div3A_452 = arith.divsi %add3A_450, %jit3A_451 : i32
      %sign3A_453 = arith.constant 0 : i32
      %sign3A_454 = arith.cmpi sgt, %add3A_450, %sign3A_453 : i32
      %sign3A_455 = arith.extui %sign3A_454 : i1 to i32
      %sign3A_456 = arith.constant 0 : i32
      %sign3A_457 = arith.cmpi slt, %add3A_450, %sign3A_456 : i32
      %sign3A_458 = arith.extui %sign3A_457 : i1 to i32
      %sign3A_459 = arith.subi %sign3A_455, %sign3A_458 : i32
      %sign3A_460 = arith.constant 0 : i32
      %sign3A_461 = arith.cmpi sgt, %jit3A_451, %sign3A_460 : i32
      %sign3A_462 = arith.extui %sign3A_461 : i1 to i32
      %sign3A_463 = arith.constant 0 : i32
      %sign3A_464 = arith.cmpi slt, %jit3A_451, %sign3A_463 : i32
      %sign3A_465 = arith.extui %sign3A_464 : i1 to i32
      %sign3A_466 = arith.subi %sign3A_462, %sign3A_465 : i32
      %ne3A_467 = arith.cmpi ne, %sign3A_459, %sign3A_466 : i32
      %rem3A_468 = arith.remsi %add3A_450, %jit3A_451 : i32
      %ne3A_469 = arith.constant 0 : i32
      %ne3A_470 = arith.cmpi ne, %rem3A_468, %ne3A_469 : i32
      %and3A_471 = arith.andi %ne3A_467, %ne3A_470 : i1
      %sub3A_472 = arith.constant 1 : i32
      %sub3A_473 = arith.subi %div3A_452, %sub3A_472 : i32
      %select_n3A_474 = arith.select %and3A_471, %sub3A_473, %div3A_452 : i32
      %while3A_475 = arith.constant 0 : i32
      %while3A_476 = arith.constant 0 : i32
      %while3A_477 = arith.subi %select_n3A_474, %while3A_475 : i32
      %while3A_478 = arith.addi %while3A_475, %while3A_477 : i32
      %while3A_479 = arith.constant 1 : i32
      %while3A_480 = arith.divsi %while3A_477, %while3A_479 : i32
      %while3A_481 = arith.muli %while3A_480, %while3A_479 : i32
      %while3A_482 = arith.addi %while3A_475, %while3A_481 : i32
      %while3A_483 = arith.constant 1 : i32
      %while3A_484 = scf.for %while3A_604 = %while3A_475 to %while3A_482 step %while3A_483 iter_args(%while3A_605 = %while3A_476) -> (i32)  : i32 {
        %mul3A_606 = arith.constant 16 : i32
        %mul3A_607 = arith.muli %while3A_604, %mul3A_606 : i32
        %get3A = arith.index_cast %mul3A_607 : i32 to index
        %get3A_608 = tpu.vector_load %arg11[%get3A] {strides = array<i32>} : memref<5120xf32, #tpu.memory_space<vmem>>, vector<16xf32>,
        %mul3A_609 = arith.constant 16 : i32
        %mul3A_610 = arith.muli %while3A_604, %mul3A_609 : i32
        %add3A_611 = arith.constant 0 : i32
        %add3A_612 = arith.addi %add3A_611, %mul3A_610 : i32
        %get3A_613 = arith.index_cast %add3A_612 : i32 to index
        %get3A_614 = tpu.vector_load %arg15[%get3A_613] {strides = array<i32>} : memref<5376xi32, #tpu.memory_space<vmem>>, vector<16xi32>,
        %mul3A_615 = arith.constant 16 : i32
        %mul3A_616 = arith.muli %while3A_604, %mul3A_615 : i32
        %iota3A = tpu.iota {dimensions = array<i32: 0>} : vector<16xi32>
        %add3A_617 = vector.broadcast %mul3A_616 : i32 to vector<16xi32>
        %add3A_618 = arith.addi %add3A_617, %iota3A : vector<16xi32>
        %lt3A_619 = vector.broadcast %scan3A_80 : i32 to vector<16xi32>
        %lt3A_620 = arith.cmpi slt, %add3A_618, %lt3A_619 : vector<16xi32>
        tpu.vector_store_idx %arg17[%get3A_614], %get3A_608 masked %lt3A_620 : memref<5136xf32, #tpu.memory_space<vmem>>[vector<16xi32>], vector<16xf32>, vector<16xi1>
        %while3A_621 = arith.constant 0 : i32
        scf.yield %while3A_621 : i32
      }
      %while3A_485 = arith.constant 1 : i32
      %while3A_486 = scf.for %while3A_604 = %while3A_482 to %while3A_478 step %while3A_485 iter_args(%while3A_605 = %while3A_484) -> (i32)  : i32 {
        %mul3A_606 = arith.constant 16 : i32
        %mul3A_607 = arith.muli %while3A_604, %mul3A_606 : i32
        %get3A = arith.index_cast %mul3A_607 : i32 to index
        %get3A_608 = tpu.vector_load %arg11[%get3A] {strides = array<i32>} : memref<5120xf32, #tpu.memory_space<vmem>>, vector<16xf32>,
        %mul3A_609 = arith.constant 16 : i32
        %mul3A_610 = arith.muli %while3A_604, %mul3A_609 : i32
        %add3A_611 = arith.constant 0 : i32
        %add3A_612 = arith.addi %add3A_611, %mul3A_610 : i32
        %get3A_613 = arith.index_cast %add3A_612 : i32 to index
        %get3A_614 = tpu.vector_load %arg15[%get3A_613] {strides = array<i32>} : memref<5376xi32, #tpu.memory_space<vmem>>, vector<16xi32>,
        %mul3A_615 = arith.constant 16 : i32
        %mul3A_616 = arith.muli %while3A_604, %mul3A_615 : i32
        %iota3A = tpu.iota {dimensions = array<i32: 0>} : vector<16xi32>
        %add3A_617 = vector.broadcast %mul3A_616 : i32 to vector<16xi32>
        %add3A_618 = arith.addi %add3A_617, %iota3A : vector<16xi32>
        %lt3A_619 = vector.broadcast %scan3A_80 : i32 to vector<16xi32>
        %lt3A_620 = arith.cmpi slt, %add3A_618, %lt3A_619 : vector<16xi32>
        tpu.vector_store_idx %arg17[%get3A_614], %get3A_608 masked %lt3A_620 : memref<5136xf32, #tpu.memory_space<vmem>>[vector<16xi32>], vector<16xf32>, vector<16xi1>
        %while3A_621 = arith.constant 0 : i32
        scf.yield %while3A_621 : i32
      }
      %eq3A_487 = arith.constant 3 : i32
      %eq3A_488 = arith.cmpi eq, %arg1, %eq3A_487 : i32
      %convert_element_type3A_489 = arith.extui %eq3A_488 : i1 to i32
      %cond3A_490 = arith.constant 0 : i32
      %cond3A_491 = arith.cmpi ne, %convert_element_type3A_489, %cond3A_490 : i32
      scf.if %cond3A_491 {
        %dma_wait3A = arith.constant 0 : i32
        %dma_wait3A_604 = tpu.memref_slice %arg3[%add3A_177, %dma_wait3A] : memref<64x1000000xf32, #tpu.memory_space<hbm>> -> memref<1x1000000xf32, #tpu.memory_space<hbm>>
        %dma_wait3A_605 = tpu.memref_squeeze %dma_wait3A_604 : memref<1x1000000xf32, #tpu.memory_space<hbm>> -> memref<1000000xf32, #tpu.memory_space<hbm>>
        %dma_wait3A_606 = arith.constant 596096 : i32
        %dma_wait3A_607 = tpu.memref_slice %dma_wait3A_605[%dma_wait3A_606] : memref<1000000xf32, #tpu.memory_space<hbm>> -> memref<403904xf32, #tpu.memory_space<hbm>>
        tpu.wait_dma2 semaphore(%arg22 : memref<!tpu.dma_semaphore, #tpu.memory_space<semaphore_mem>>) src(%dma_wait3A_607 : memref<403904xf32, #tpu.memory_space<hbm>>) dst(%arg9 : memref<403904xf32, #tpu.memory_space<vmem_shared>>)
      } else {
      }
      %barrier3A_492 = arith.constant 0 : index
      tpu.barrier barrier_id(%barrier3A_492)
      %sub3A_493 = arith.constant 5120 : i32
      %sub3A_494 = arith.subi %sub3A_493, %scan3A_80 : i32
      %add3A_495 = arith.constant 128 : i32
      %add3A_496 = arith.addi %sub3A_494, %add3A_495 : i32
      %sub3A_497 = arith.constant 1 : i32
      %sub3A_498 = arith.subi %add3A_496, %sub3A_497 : i32
      %jit3A_499 = arith.constant 128 : i32
      %div3A_500 = arith.divsi %sub3A_498, %jit3A_499 : i32
      %sign3A_501 = arith.constant 0 : i32
      %sign3A_502 = arith.cmpi sgt, %sub3A_498, %sign3A_501 : i32
      %sign3A_503 = arith.extui %sign3A_502 : i1 to i32
      %sign3A_504 = arith.constant 0 : i32
      %sign3A_505 = arith.cmpi slt, %sub3A_498, %sign3A_504 : i32
      %sign3A_506 = arith.extui %sign3A_505 : i1 to i32
      %sign3A_507 = arith.subi %sign3A_503, %sign3A_506 : i32
      %sign3A_508 = arith.constant 0 : i32
      %sign3A_509 = arith.cmpi sgt, %jit3A_499, %sign3A_508 : i32
      %sign3A_510 = arith.extui %sign3A_509 : i1 to i32
      %sign3A_511 = arith.constant 0 : i32
      %sign3A_512 = arith.cmpi slt, %jit3A_499, %sign3A_511 : i32
      %sign3A_513 = arith.extui %sign3A_512 : i1 to i32
      %sign3A_514 = arith.subi %sign3A_510, %sign3A_513 : i32
      %ne3A_515 = arith.cmpi ne, %sign3A_507, %sign3A_514 : i32
      %rem3A_516 = arith.remsi %sub3A_498, %jit3A_499 : i32
      %ne3A_517 = arith.constant 0 : i32
      %ne3A_518 = arith.cmpi ne, %rem3A_516, %ne3A_517 : i32
      %and3A_519 = arith.andi %ne3A_515, %ne3A_518 : i1
      %sub3A_520 = arith.constant 1 : i32
      %sub3A_521 = arith.subi %div3A_500, %sub3A_520 : i32
      %select_n3A_522 = arith.select %and3A_519, %sub3A_521, %div3A_500 : i32
      %while3A_523 = arith.constant 0 : i32
      %while3A_524 = arith.constant 0 : i32
      %while3A_525 = arith.subi %select_n3A_522, %while3A_523 : i32
      %while3A_526 = arith.addi %while3A_523, %while3A_525 : i32
      %while3A_527 = arith.constant 1 : i32
      %while3A_528 = arith.divsi %while3A_525, %while3A_527 : i32
      %while3A_529 = arith.muli %while3A_528, %while3A_527 : i32
      %while3A_530 = arith.addi %while3A_523, %while3A_529 : i32
      %while3A_531 = arith.constant 1 : i32
      %while3A_532 = scf.for %while3A_604 = %while3A_523 to %while3A_530 step %while3A_531 iter_args(%while3A_605 = %while3A_524) -> (i32)  : i32 {
        %mul3A_606 = arith.constant 128 : i32
        %mul3A_607 = arith.muli %while3A_604, %mul3A_606 : i32
        %add3A_608 = arith.addi %mul3A_111, %mul3A_607 : i32
        %mul3A_609 = arith.constant 128 : i32
        %mul3A_610 = arith.muli %while3A_604, %mul3A_609 : i32
        %dma_start3A = tpu.memref_slice %arg11[%mul3A_610] : memref<5120xf32, #tpu.memory_space<vmem>> -> memref<128xf32, #tpu.memory_space<vmem>>
        %dma_start3A_611 = tpu.memref_slice %arg14[%add3A_608] : memref<5376xi32, #tpu.memory_space<vmem>> -> memref<128xi32, #tpu.memory_space<vmem>>
        %dma_start3A_612 = arith.constant 0 : i32
        %dma_start3A_613 = tpu.memref_slice %arg9[%dma_start3A_612] : memref<403904xf32, #tpu.memory_space<vmem_shared>> -> memref<403904xf32, #tpu.memory_space<vmem_shared>>
        tpu.enqueue_indirect_dma source(%dma_start3A_613 : memref<403904xf32, #tpu.memory_space<vmem_shared>>) target(%dma_start3A : memref<128xf32, #tpu.memory_space<vmem>>) offsets(%dma_start3A_611 : memref<128xi32, #tpu.memory_space<vmem>>) semaphore(%arg23 : memref<!tpu.dma_semaphore, #tpu.memory_space<semaphore_mem>>)
        %while3A_614 = arith.constant 0 : i32
        scf.yield %while3A_614 : i32
      }
      %while3A_533 = arith.constant 1 : i32
      %while3A_534 = scf.for %while3A_604 = %while3A_530 to %while3A_526 step %while3A_533 iter_args(%while3A_605 = %while3A_532) -> (i32)  : i32 {
        %mul3A_606 = arith.constant 128 : i32
        %mul3A_607 = arith.muli %while3A_604, %mul3A_606 : i32
        %add3A_608 = arith.addi %mul3A_111, %mul3A_607 : i32
        %mul3A_609 = arith.constant 128 : i32
        %mul3A_610 = arith.muli %while3A_604, %mul3A_609 : i32
        %dma_start3A = tpu.memref_slice %arg11[%mul3A_610] : memref<5120xf32, #tpu.memory_space<vmem>> -> memref<128xf32, #tpu.memory_space<vmem>>
        %dma_start3A_611 = tpu.memref_slice %arg14[%add3A_608] : memref<5376xi32, #tpu.memory_space<vmem>> -> memref<128xi32, #tpu.memory_space<vmem>>
        %dma_start3A_612 = arith.constant 0 : i32
        %dma_start3A_613 = tpu.memref_slice %arg9[%dma_start3A_612] : memref<403904xf32, #tpu.memory_space<vmem_shared>> -> memref<403904xf32, #tpu.memory_space<vmem_shared>>
        tpu.enqueue_indirect_dma source(%dma_start3A_613 : memref<403904xf32, #tpu.memory_space<vmem_shared>>) target(%dma_start3A : memref<128xf32, #tpu.memory_space<vmem>>) offsets(%dma_start3A_611 : memref<128xi32, #tpu.memory_space<vmem>>) semaphore(%arg23 : memref<!tpu.dma_semaphore, #tpu.memory_space<semaphore_mem>>)
        %while3A_614 = arith.constant 0 : i32
        scf.yield %while3A_614 : i32
      }
      %while3A_535 = arith.constant 0 : i32
      %while3A_536 = arith.constant 0 : i32
      %while3A_537 = arith.subi %select_n3A_522, %while3A_535 : i32
      %while3A_538 = arith.addi %while3A_535, %while3A_537 : i32
      %while3A_539 = arith.constant 1 : i32
      %while3A_540 = arith.divsi %while3A_537, %while3A_539 : i32
      %while3A_541 = arith.muli %while3A_540, %while3A_539 : i32
      %while3A_542 = arith.addi %while3A_535, %while3A_541 : i32
      %while3A_543 = arith.constant 1 : i32
      %while3A_544 = scf.for %while3A_604 = %while3A_535 to %while3A_542 step %while3A_543 iter_args(%while3A_605 = %while3A_536) -> (i32)  : i32 {
        %mul3A_606 = arith.constant 128 : i32
        %mul3A_607 = arith.muli %while3A_604, %mul3A_606 : i32
        %add3A_608 = arith.addi %mul3A_111, %mul3A_607 : i32
        %mul3A_609 = arith.constant 128 : i32
        %mul3A_610 = arith.muli %while3A_604, %mul3A_609 : i32
        %dma_wait3A = tpu.memref_slice %arg11[%mul3A_610] : memref<5120xf32, #tpu.memory_space<vmem>> -> memref<128xf32, #tpu.memory_space<vmem>>
        %dma_wait3A_611 = tpu.memref_slice %arg14[%add3A_608] : memref<5376xi32, #tpu.memory_space<vmem>> -> memref<128xi32, #tpu.memory_space<vmem>>
        %dma_wait3A_612 = arith.constant 0 : i32
        %dma_wait3A_613 = tpu.memref_slice %arg9[%dma_wait3A_612] : memref<403904xf32, #tpu.memory_space<vmem_shared>> -> memref<403904xf32, #tpu.memory_space<vmem_shared>>
        tpu.wait_indirect_dma semaphore(%arg23 : memref<!tpu.dma_semaphore, #tpu.memory_space<semaphore_mem>>) src(%dma_wait3A_613 : memref<403904xf32, #tpu.memory_space<vmem_shared>>) dst(%dma_wait3A : memref<128xf32, #tpu.memory_space<vmem>>)
        %while3A_614 = arith.constant 0 : i32
        scf.yield %while3A_614 : i32
      }
      %while3A_545 = arith.constant 1 : i32
      %while3A_546 = scf.for %while3A_604 = %while3A_542 to %while3A_538 step %while3A_545 iter_args(%while3A_605 = %while3A_544) -> (i32)  : i32 {
        %mul3A_606 = arith.constant 128 : i32
        %mul3A_607 = arith.muli %while3A_604, %mul3A_606 : i32
        %add3A_608 = arith.addi %mul3A_111, %mul3A_607 : i32
        %mul3A_609 = arith.constant 128 : i32
        %mul3A_610 = arith.muli %while3A_604, %mul3A_609 : i32
        %dma_wait3A = tpu.memref_slice %arg11[%mul3A_610] : memref<5120xf32, #tpu.memory_space<vmem>> -> memref<128xf32, #tpu.memory_space<vmem>>
        %dma_wait3A_611 = tpu.memref_slice %arg14[%add3A_608] : memref<5376xi32, #tpu.memory_space<vmem>> -> memref<128xi32, #tpu.memory_space<vmem>>
        %dma_wait3A_612 = arith.constant 0 : i32
        %dma_wait3A_613 = tpu.memref_slice %arg9[%dma_wait3A_612] : memref<403904xf32, #tpu.memory_space<vmem_shared>> -> memref<403904xf32, #tpu.memory_space<vmem_shared>>
        tpu.wait_indirect_dma semaphore(%arg23 : memref<!tpu.dma_semaphore, #tpu.memory_space<semaphore_mem>>) src(%dma_wait3A_613 : memref<403904xf32, #tpu.memory_space<vmem_shared>>) dst(%dma_wait3A : memref<128xf32, #tpu.memory_space<vmem>>)
        %while3A_614 = arith.constant 0 : i32
        scf.yield %while3A_614 : i32
      }
      %add3A_547 = arith.constant 15 : i32
      %add3A_548 = arith.addi %sub3A_494, %add3A_547 : i32
      %jit3A_549 = arith.constant 16 : i32
      %div3A_550 = arith.divsi %add3A_548, %jit3A_549 : i32
      %sign3A_551 = arith.constant 0 : i32
      %sign3A_552 = arith.cmpi sgt, %add3A_548, %sign3A_551 : i32
      %sign3A_553 = arith.extui %sign3A_552 : i1 to i32
      %sign3A_554 = arith.constant 0 : i32
      %sign3A_555 = arith.cmpi slt, %add3A_548, %sign3A_554 : i32
      %sign3A_556 = arith.extui %sign3A_555 : i1 to i32
      %sign3A_557 = arith.subi %sign3A_553, %sign3A_556 : i32
      %sign3A_558 = arith.constant 0 : i32
      %sign3A_559 = arith.cmpi sgt, %jit3A_549, %sign3A_558 : i32
      %sign3A_560 = arith.extui %sign3A_559 : i1 to i32
      %sign3A_561 = arith.constant 0 : i32
      %sign3A_562 = arith.cmpi slt, %jit3A_549, %sign3A_561 : i32
      %sign3A_563 = arith.extui %sign3A_562 : i1 to i32
      %sign3A_564 = arith.subi %sign3A_560, %sign3A_563 : i32
      %ne3A_565 = arith.cmpi ne, %sign3A_557, %sign3A_564 : i32
      %rem3A_566 = arith.remsi %add3A_548, %jit3A_549 : i32
      %ne3A_567 = arith.constant 0 : i32
      %ne3A_568 = arith.cmpi ne, %rem3A_566, %ne3A_567 : i32
      %and3A_569 = arith.andi %ne3A_565, %ne3A_568 : i1
      %sub3A_570 = arith.constant 1 : i32
      %sub3A_571 = arith.subi %div3A_550, %sub3A_570 : i32
      %select_n3A_572 = arith.select %and3A_569, %sub3A_571, %div3A_550 : i32
      %while3A_573 = arith.constant 0 : i32
      %while3A_574 = arith.constant 0 : i32
      %while3A_575 = arith.subi %select_n3A_572, %while3A_573 : i32
      %while3A_576 = arith.addi %while3A_573, %while3A_575 : i32
      %while3A_577 = arith.constant 1 : i32
      %while3A_578 = arith.divsi %while3A_575, %while3A_577 : i32
      %while3A_579 = arith.muli %while3A_578, %while3A_577 : i32
      %while3A_580 = arith.addi %while3A_573, %while3A_579 : i32
      %while3A_581 = arith.constant 1 : i32
      %while3A_582 = scf.for %while3A_604 = %while3A_573 to %while3A_580 step %while3A_581 iter_args(%while3A_605 = %while3A_574) -> (i32)  : i32 {
        %mul3A_606 = arith.constant 16 : i32
        %mul3A_607 = arith.muli %while3A_604, %mul3A_606 : i32
        %get3A = arith.index_cast %mul3A_607 : i32 to index
        %get3A_608 = tpu.vector_load %arg11[%get3A] {strides = array<i32>} : memref<5120xf32, #tpu.memory_space<vmem>>, vector<16xf32>,
        %mul3A_609 = arith.constant 16 : i32
        %mul3A_610 = arith.muli %while3A_604, %mul3A_609 : i32
        %add3A_611 = arith.addi %mul3A_111, %mul3A_610 : i32
        %get3A_612 = arith.index_cast %add3A_611 : i32 to index
        %get3A_613 = tpu.vector_load %arg15[%get3A_612] {strides = array<i32>} : memref<5376xi32, #tpu.memory_space<vmem>>, vector<16xi32>,
        %mul3A_614 = arith.constant 16 : i32
        %mul3A_615 = arith.muli %while3A_604, %mul3A_614 : i32
        %iota3A = tpu.iota {dimensions = array<i32: 0>} : vector<16xi32>
        %add3A_616 = vector.broadcast %mul3A_615 : i32 to vector<16xi32>
        %add3A_617 = arith.addi %add3A_616, %iota3A : vector<16xi32>
        %lt3A_618 = vector.broadcast %sub3A_494 : i32 to vector<16xi32>
        %lt3A_619 = arith.cmpi slt, %add3A_617, %lt3A_618 : vector<16xi32>
        tpu.vector_store_idx %arg17[%get3A_613], %get3A_608 masked %lt3A_619 : memref<5136xf32, #tpu.memory_space<vmem>>[vector<16xi32>], vector<16xf32>, vector<16xi1>
        %while3A_620 = arith.constant 0 : i32
        scf.yield %while3A_620 : i32
      }
      %while3A_583 = arith.constant 1 : i32
      %while3A_584 = scf.for %while3A_604 = %while3A_580 to %while3A_576 step %while3A_583 iter_args(%while3A_605 = %while3A_582) -> (i32)  : i32 {
        %mul3A_606 = arith.constant 16 : i32
        %mul3A_607 = arith.muli %while3A_604, %mul3A_606 : i32
        %get3A = arith.index_cast %mul3A_607 : i32 to index
        %get3A_608 = tpu.vector_load %arg11[%get3A] {strides = array<i32>} : memref<5120xf32, #tpu.memory_space<vmem>>, vector<16xf32>,
        %mul3A_609 = arith.constant 16 : i32
        %mul3A_610 = arith.muli %while3A_604, %mul3A_609 : i32
        %add3A_611 = arith.addi %mul3A_111, %mul3A_610 : i32
        %get3A_612 = arith.index_cast %add3A_611 : i32 to index
        %get3A_613 = tpu.vector_load %arg15[%get3A_612] {strides = array<i32>} : memref<5376xi32, #tpu.memory_space<vmem>>, vector<16xi32>,
        %mul3A_614 = arith.constant 16 : i32
        %mul3A_615 = arith.muli %while3A_604, %mul3A_614 : i32
        %iota3A = tpu.iota {dimensions = array<i32: 0>} : vector<16xi32>
        %add3A_616 = vector.broadcast %mul3A_615 : i32 to vector<16xi32>
        %add3A_617 = arith.addi %add3A_616, %iota3A : vector<16xi32>
        %lt3A_618 = vector.broadcast %sub3A_494 : i32 to vector<16xi32>
        %lt3A_619 = arith.cmpi slt, %add3A_617, %lt3A_618 : vector<16xi32>
        tpu.vector_store_idx %arg17[%get3A_613], %get3A_608 masked %lt3A_619 : memref<5136xf32, #tpu.memory_space<vmem>>[vector<16xi32>], vector<16xf32>, vector<16xi1>
        %while3A_620 = arith.constant 0 : i32
        scf.yield %while3A_620 : i32
      }
      %barrier3A_585 = arith.constant 0 : index
      tpu.barrier barrier_id(%barrier3A_585)
      %eq3A_586 = arith.constant 1 : i32
      %eq3A_587 = arith.cmpi eq, %arg1, %eq3A_586 : i32
      %add3A_588 = arith.constant 1 : i32
      %add3A_589 = arith.addi %scan3A_175, %add3A_588 : i32
      %lt3A_590 = arith.constant 32 : i32
      %lt3A_591 = arith.cmpi slt, %add3A_589, %lt3A_590 : i32
      %and3A_592 = arith.andi %eq3A_587, %lt3A_591 : i1
      %convert_element_type3A_593 = arith.extui %and3A_592 : i1 to i32
      %cond3A_594 = arith.constant 0 : i32
      %cond3A_595 = arith.cmpi ne, %convert_element_type3A_593, %cond3A_594 : i32
      scf.if %cond3A_595 {
        %add3A_604 = arith.constant 1 : i32
        %add3A_605 = arith.addi %add3A_177, %add3A_604 : i32
        %dma_start3A = arith.constant 0 : i32
        %dma_start3A_606 = tpu.memref_slice %arg2[%add3A_605, %dma_start3A] : memref<64x1000000xf32, #tpu.memory_space<hbm>> -> memref<1x1000000xf32, #tpu.memory_space<hbm>>
        %dma_start3A_607 = tpu.memref_squeeze %dma_start3A_606 : memref<1x1000000xf32, #tpu.memory_space<hbm>> -> memref<1000000xf32, #tpu.memory_space<hbm>>
        %dma_start3A_608 = arith.constant 596096 : i32
        %dma_start3A_609 = tpu.memref_slice %dma_start3A_607[%dma_start3A_608] : memref<1000000xf32, #tpu.memory_space<hbm>> -> memref<403904xf32, #tpu.memory_space<hbm>>
        tpu.enqueue_dma source(%dma_start3A_609 : memref<403904xf32, #tpu.memory_space<hbm>>) target(%arg9 : memref<403904xf32, #tpu.memory_space<vmem_shared>>) target_semaphore(%arg20 : memref<!tpu.dma_semaphore, #tpu.memory_space<semaphore_mem>>)
      } else {
      }
      %scan3A_596 = arith.constant 0 : i32
      %scan3A_597 = arith.constant 0 : i32
      %scan3A_598 = arith.constant 64 : i32
      %scan3A_599 = arith.addi %scan3A_597, %scan3A_598 : i32
      %scan3A_600 = arith.constant 1 : i32
      %scan3A_601 = scf.for %scan3A_604 = %scan3A_597 to %scan3A_599 step %scan3A_600 iter_args(%scan3A_605 = %scan3A_596) -> (i32)  : i32 {
        %mul3A_606 = arith.constant 16 : i32
        %mul3A_607 = arith.muli %scan3A_604, %mul3A_606 : i32
        %get3A = arith.index_cast %mul3A_607 : i32 to index
        %get3A_608 = tpu.vector_load %arg16[%get3A] {strides = array<i32>} : memref<1040xf32, #tpu.memory_space<vmem>>, vector<16xf32>,
        %mul3A_609 = arith.constant 16 : i32
        %mul3A_610 = arith.muli %scan3A_604, %mul3A_609 : i32
        %add3A_611 = arith.constant 0 : i32
        %add3A_612 = arith.addi %add3A_611, %mul3A_610 : i32
        %get3A_613 = arith.index_cast %add3A_612 : i32 to index
        %get3A_614 = tpu.vector_load %arg17[%get3A_613] {strides = array<i32>} : memref<5136xf32, #tpu.memory_space<vmem>>, vector<16xf32>,
        %mul3A_615 = arith.mulf %get3A_608, %get3A_614 : vector<16xf32>
        %swap3A = arith.index_cast %add3A_612 : i32 to index
        %swap3A_616 = tpu.vector_load %arg18[%swap3A] {strides = array<i32>} : memref<5120xf32, #tpu.memory_space<vmem>>, vector<16xf32>,
        tpu.vector_store %arg18[%swap3A], %mul3A_615 {add = true, strides = array<i32>} : memref<5120xf32, #tpu.memory_space<vmem>>, vector<16xf32>,
        %mul3A_617 = arith.constant 16 : i32
        %mul3A_618 = arith.muli %scan3A_604, %mul3A_617 : i32
        %add3A_619 = arith.constant 1024 : i32
        %add3A_620 = arith.addi %add3A_619, %mul3A_618 : i32
        %get3A_621 = arith.index_cast %add3A_620 : i32 to index
        %get3A_622 = tpu.vector_load %arg17[%get3A_621] {strides = array<i32>} : memref<5136xf32, #tpu.memory_space<vmem>>, vector<16xf32>,
        %mul3A_623 = arith.mulf %get3A_608, %get3A_622 : vector<16xf32>
        %swap3A_624 = arith.index_cast %add3A_620 : i32 to index
        %swap3A_625 = tpu.vector_load %arg18[%swap3A_624] {strides = array<i32>} : memref<5120xf32, #tpu.memory_space<vmem>>, vector<16xf32>,
        tpu.vector_store %arg18[%swap3A_624], %mul3A_623 {add = true, strides = array<i32>} : memref<5120xf32, #tpu.memory_space<vmem>>, vector<16xf32>,
        %mul3A_626 = arith.constant 16 : i32
        %mul3A_627 = arith.muli %scan3A_604, %mul3A_626 : i32
        %add3A_628 = arith.constant 2048 : i32
        %add3A_629 = arith.addi %add3A_628, %mul3A_627 : i32
        %get3A_630 = arith.index_cast %add3A_629 : i32 to index
        %get3A_631 = tpu.vector_load %arg17[%get3A_630] {strides = array<i32>} : memref<5136xf32, #tpu.memory_space<vmem>>, vector<16xf32>,
        %mul3A_632 = arith.mulf %get3A_608, %get3A_631 : vector<16xf32>
        %swap3A_633 = arith.index_cast %add3A_629 : i32 to index
        %swap3A_634 = tpu.vector_load %arg18[%swap3A_633] {strides = array<i32>} : memref<5120xf32, #tpu.memory_space<vmem>>, vector<16xf32>,
        tpu.vector_store %arg18[%swap3A_633], %mul3A_632 {add = true, strides = array<i32>} : memref<5120xf32, #tpu.memory_space<vmem>>, vector<16xf32>,
        %mul3A_635 = arith.constant 16 : i32
        %mul3A_636 = arith.muli %scan3A_604, %mul3A_635 : i32
        %add3A_637 = arith.constant 3072 : i32
        %add3A_638 = arith.addi %add3A_637, %mul3A_636 : i32
        %get3A_639 = arith.index_cast %add3A_638 : i32 to index
        %get3A_640 = tpu.vector_load %arg17[%get3A_639] {strides = array<i32>} : memref<5136xf32, #tpu.memory_space<vmem>>, vector<16xf32>,
        %mul3A_641 = arith.mulf %get3A_608, %get3A_640 : vector<16xf32>
        %swap3A_642 = arith.index_cast %add3A_638 : i32 to index
        %swap3A_643 = tpu.vector_load %arg18[%swap3A_642] {strides = array<i32>} : memref<5120xf32, #tpu.memory_space<vmem>>, vector<16xf32>,
        tpu.vector_store %arg18[%swap3A_642], %mul3A_641 {add = true, strides = array<i32>} : memref<5120xf32, #tpu.memory_space<vmem>>, vector<16xf32>,
        %mul3A_644 = arith.constant 16 : i32
        %mul3A_645 = arith.muli %scan3A_604, %mul3A_644 : i32
        %add3A_646 = arith.constant 4096 : i32
        %add3A_647 = arith.addi %add3A_646, %mul3A_645 : i32
        %get3A_648 = arith.index_cast %add3A_647 : i32 to index
        %get3A_649 = tpu.vector_load %arg17[%get3A_648] {strides = array<i32>} : memref<5136xf32, #tpu.memory_space<vmem>>, vector<16xf32>,
        %mul3A_650 = arith.mulf %get3A_608, %get3A_649 : vector<16xf32>
        %swap3A_651 = arith.index_cast %add3A_647 : i32 to index
        %swap3A_652 = tpu.vector_load %arg18[%swap3A_651] {strides = array<i32>} : memref<5120xf32, #tpu.memory_space<vmem>>, vector<16xf32>,
        tpu.vector_store %arg18[%swap3A_651], %mul3A_650 {add = true, strides = array<i32>} : memref<5120xf32, #tpu.memory_space<vmem>>, vector<16xf32>,
        %scan3A_653 = arith.constant 0 : i32
        scf.yield %scan3A_653 : i32
      }
      %scan3A_602 = arith.constant 64 : i32
      %scan3A_603 = arith.constant 0 : i32
      scf.yield %scan3A_603 : i32
    }
    %scan3A_139 = arith.constant 32 : i32
    %barrier3A = arith.constant 0 : index
    tpu.barrier barrier_id(%barrier3A)
    %mul3A_140 = arith.constant 5 : i32
    %mul3A_141 = arith.muli %arg0, %mul3A_140 : i32
    %add3A_142 = arith.constant 0 : i32
    %add3A_143 = arith.addi %mul3A_141, %add3A_142 : i32
    %mul3A_144 = arith.constant 16384 : i32
    %mul3A_145 = arith.muli %add3A_143, %mul3A_144 : i32
    %add3A_146 = arith.addi %mul3A_145, %mul3A_2 : i32
    "tpu.region"() ({
      %run_scoped3A = tpu.sem_alloc : memref<!tpu.dma_semaphore, #tpu.memory_space<semaphore_mem>>
      %dma_start3A = arith.constant 0 : i32
      %dma_start3A_175 = tpu.memref_slice %arg18[%dma_start3A] : memref<5120xf32, #tpu.memory_space<vmem>> -> memref<1024xf32, #tpu.memory_space<vmem>>
      %dma_start3A_176 = tpu.memref_slice %arg6[%add3A_146] : memref<163840xf32, #tpu.memory_space<hbm>> -> memref<1024xf32, #tpu.memory_space<hbm>>
      %dma_start3A_177 = tpu.memref_slice %arg6[%add3A_146] : memref<163840xf32, #tpu.memory_space<hbm>> -> memref<1024xf32, #tpu.memory_space<hbm>>
      %dma_start3A_178 = arith.constant 0 : i32
      %dma_start3A_179 = tpu.memref_slice %arg18[%dma_start3A_178] : memref<5120xf32, #tpu.memory_space<vmem>> -> memref<1024xf32, #tpu.memory_space<vmem>>
      tpu.enqueue_dma source(%dma_start3A_179 : memref<1024xf32, #tpu.memory_space<vmem>>) target(%dma_start3A_177 : memref<1024xf32, #tpu.memory_space<hbm>>) target_semaphore(%run_scoped3A : memref<!tpu.dma_semaphore, #tpu.memory_space<semaphore_mem>>)
      %dma_wait3A = arith.constant 0 : i32
      %dma_wait3A_180 = tpu.memref_slice %arg18[%dma_wait3A] : memref<5120xf32, #tpu.memory_space<vmem>> -> memref<1024xf32, #tpu.memory_space<vmem>>
      %dma_wait3A_181 = tpu.memref_slice %arg6[%add3A_146] : memref<163840xf32, #tpu.memory_space<hbm>> -> memref<1024xf32, #tpu.memory_space<hbm>>
      %dma_wait3A_182 = tpu.memref_slice %arg6[%add3A_146] : memref<163840xf32, #tpu.memory_space<hbm>> -> memref<1024xf32, #tpu.memory_space<hbm>>
      %dma_wait3A_183 = arith.constant 0 : i32
      %dma_wait3A_184 = tpu.memref_slice %arg18[%dma_wait3A_183] : memref<5120xf32, #tpu.memory_space<vmem>> -> memref<1024xf32, #tpu.memory_space<vmem>>
      tpu.wait_dma2 semaphore(%run_scoped3A : memref<!tpu.dma_semaphore, #tpu.memory_space<semaphore_mem>>) src(%dma_wait3A_184 : memref<1024xf32, #tpu.memory_space<vmem>>) dst(%dma_wait3A_182 : memref<1024xf32, #tpu.memory_space<hbm>>)
      tpu.yield
    }) : () -> ()
    %mul3A_147 = arith.constant 5 : i32
    %mul3A_148 = arith.muli %arg0, %mul3A_147 : i32
    %add3A_149 = arith.constant 1 : i32
    %add3A_150 = arith.addi %mul3A_148, %add3A_149 : i32
    %mul3A_151 = arith.constant 16384 : i32
    %mul3A_152 = arith.muli %add3A_150, %mul3A_151 : i32
    %add3A_153 = arith.addi %mul3A_152, %mul3A_2 : i32
    "tpu.region"() ({
      %run_scoped3A = tpu.sem_alloc : memref<!tpu.dma_semaphore, #tpu.memory_space<semaphore_mem>>
      %dma_start3A = arith.constant 1024 : i32
      %dma_start3A_175 = tpu.memref_slice %arg18[%dma_start3A] : memref<5120xf32, #tpu.memory_space<vmem>> -> memref<1024xf32, #tpu.memory_space<vmem>>
      %dma_start3A_176 = tpu.memref_slice %arg6[%add3A_153] : memref<163840xf32, #tpu.memory_space<hbm>> -> memref<1024xf32, #tpu.memory_space<hbm>>
      %dma_start3A_177 = tpu.memref_slice %arg6[%add3A_153] : memref<163840xf32, #tpu.memory_space<hbm>> -> memref<1024xf32, #tpu.memory_space<hbm>>
      %dma_start3A_178 = arith.constant 1024 : i32
      %dma_start3A_179 = tpu.memref_slice %arg18[%dma_start3A_178] : memref<5120xf32, #tpu.memory_space<vmem>> -> memref<1024xf32, #tpu.memory_space<vmem>>
      tpu.enqueue_dma source(%dma_start3A_179 : memref<1024xf32, #tpu.memory_space<vmem>>) target(%dma_start3A_177 : memref<1024xf32, #tpu.memory_space<hbm>>) target_semaphore(%run_scoped3A : memref<!tpu.dma_semaphore, #tpu.memory_space<semaphore_mem>>)
      %dma_wait3A = arith.constant 1024 : i32
      %dma_wait3A_180 = tpu.memref_slice %arg18[%dma_wait3A] : memref<5120xf32, #tpu.memory_space<vmem>> -> memref<1024xf32, #tpu.memory_space<vmem>>
      %dma_wait3A_181 = tpu.memref_slice %arg6[%add3A_153] : memref<163840xf32, #tpu.memory_space<hbm>> -> memref<1024xf32, #tpu.memory_space<hbm>>
      %dma_wait3A_182 = tpu.memref_slice %arg6[%add3A_153] : memref<163840xf32, #tpu.memory_space<hbm>> -> memref<1024xf32, #tpu.memory_space<hbm>>
      %dma_wait3A_183 = arith.constant 1024 : i32
      %dma_wait3A_184 = tpu.memref_slice %arg18[%dma_wait3A_183] : memref<5120xf32, #tpu.memory_space<vmem>> -> memref<1024xf32, #tpu.memory_space<vmem>>
      tpu.wait_dma2 semaphore(%run_scoped3A : memref<!tpu.dma_semaphore, #tpu.memory_space<semaphore_mem>>) src(%dma_wait3A_184 : memref<1024xf32, #tpu.memory_space<vmem>>) dst(%dma_wait3A_182 : memref<1024xf32, #tpu.memory_space<hbm>>)
      tpu.yield
    }) : () -> ()
    %mul3A_154 = arith.constant 5 : i32
    %mul3A_155 = arith.muli %arg0, %mul3A_154 : i32
    %add3A_156 = arith.constant 2 : i32
    %add3A_157 = arith.addi %mul3A_155, %add3A_156 : i32
    %mul3A_158 = arith.constant 16384 : i32
    %mul3A_159 = arith.muli %add3A_157, %mul3A_158 : i32
    %add3A_160 = arith.addi %mul3A_159, %mul3A_2 : i32
    "tpu.region"() ({
      %run_scoped3A = tpu.sem_alloc : memref<!tpu.dma_semaphore, #tpu.memory_space<semaphore_mem>>
      %dma_start3A = arith.constant 2048 : i32
      %dma_start3A_175 = tpu.memref_slice %arg18[%dma_start3A] : memref<5120xf32, #tpu.memory_space<vmem>> -> memref<1024xf32, #tpu.memory_space<vmem>>
      %dma_start3A_176 = tpu.memref_slice %arg6[%add3A_160] : memref<163840xf32, #tpu.memory_space<hbm>> -> memref<1024xf32, #tpu.memory_space<hbm>>
      %dma_start3A_177 = tpu.memref_slice %arg6[%add3A_160] : memref<163840xf32, #tpu.memory_space<hbm>> -> memref<1024xf32, #tpu.memory_space<hbm>>
      %dma_start3A_178 = arith.constant 2048 : i32
      %dma_start3A_179 = tpu.memref_slice %arg18[%dma_start3A_178] : memref<5120xf32, #tpu.memory_space<vmem>> -> memref<1024xf32, #tpu.memory_space<vmem>>
      tpu.enqueue_dma source(%dma_start3A_179 : memref<1024xf32, #tpu.memory_space<vmem>>) target(%dma_start3A_177 : memref<1024xf32, #tpu.memory_space<hbm>>) target_semaphore(%run_scoped3A : memref<!tpu.dma_semaphore, #tpu.memory_space<semaphore_mem>>)
      %dma_wait3A = arith.constant 2048 : i32
      %dma_wait3A_180 = tpu.memref_slice %arg18[%dma_wait3A] : memref<5120xf32, #tpu.memory_space<vmem>> -> memref<1024xf32, #tpu.memory_space<vmem>>
      %dma_wait3A_181 = tpu.memref_slice %arg6[%add3A_160] : memref<163840xf32, #tpu.memory_space<hbm>> -> memref<1024xf32, #tpu.memory_space<hbm>>
      %dma_wait3A_182 = tpu.memref_slice %arg6[%add3A_160] : memref<163840xf32, #tpu.memory_space<hbm>> -> memref<1024xf32, #tpu.memory_space<hbm>>
      %dma_wait3A_183 = arith.constant 2048 : i32
      %dma_wait3A_184 = tpu.memref_slice %arg18[%dma_wait3A_183] : memref<5120xf32, #tpu.memory_space<vmem>> -> memref<1024xf32, #tpu.memory_space<vmem>>
      tpu.wait_dma2 semaphore(%run_scoped3A : memref<!tpu.dma_semaphore, #tpu.memory_space<semaphore_mem>>) src(%dma_wait3A_184 : memref<1024xf32, #tpu.memory_space<vmem>>) dst(%dma_wait3A_182 : memref<1024xf32, #tpu.memory_space<hbm>>)
      tpu.yield
    }) : () -> ()
    %mul3A_161 = arith.constant 5 : i32
    %mul3A_162 = arith.muli %arg0, %mul3A_161 : i32
    %add3A_163 = arith.constant 3 : i32
    %add3A_164 = arith.addi %mul3A_162, %add3A_163 : i32
    %mul3A_165 = arith.constant 16384 : i32
    %mul3A_166 = arith.muli %add3A_164, %mul3A_165 : i32
    %add3A_167 = arith.addi %mul3A_166, %mul3A_2 : i32
    "tpu.region"() ({
      %run_scoped3A = tpu.sem_alloc : memref<!tpu.dma_semaphore, #tpu.memory_space<semaphore_mem>>
      %dma_start3A = arith.constant 3072 : i32
      %dma_start3A_175 = tpu.memref_slice %arg18[%dma_start3A] : memref<5120xf32, #tpu.memory_space<vmem>> -> memref<1024xf32, #tpu.memory_space<vmem>>
      %dma_start3A_176 = tpu.memref_slice %arg6[%add3A_167] : memref<163840xf32, #tpu.memory_space<hbm>> -> memref<1024xf32, #tpu.memory_space<hbm>>
      %dma_start3A_177 = tpu.memref_slice %arg6[%add3A_167] : memref<163840xf32, #tpu.memory_space<hbm>> -> memref<1024xf32, #tpu.memory_space<hbm>>
      %dma_start3A_178 = arith.constant 3072 : i32
      %dma_start3A_179 = tpu.memref_slice %arg18[%dma_start3A_178] : memref<5120xf32, #tpu.memory_space<vmem>> -> memref<1024xf32, #tpu.memory_space<vmem>>
      tpu.enqueue_dma source(%dma_start3A_179 : memref<1024xf32, #tpu.memory_space<vmem>>) target(%dma_start3A_177 : memref<1024xf32, #tpu.memory_space<hbm>>) target_semaphore(%run_scoped3A : memref<!tpu.dma_semaphore, #tpu.memory_space<semaphore_mem>>)
      %dma_wait3A = arith.constant 3072 : i32
      %dma_wait3A_180 = tpu.memref_slice %arg18[%dma_wait3A] : memref<5120xf32, #tpu.memory_space<vmem>> -> memref<1024xf32, #tpu.memory_space<vmem>>
      %dma_wait3A_181 = tpu.memref_slice %arg6[%add3A_167] : memref<163840xf32, #tpu.memory_space<hbm>> -> memref<1024xf32, #tpu.memory_space<hbm>>
      %dma_wait3A_182 = tpu.memref_slice %arg6[%add3A_167] : memref<163840xf32, #tpu.memory_space<hbm>> -> memref<1024xf32, #tpu.memory_space<hbm>>
      %dma_wait3A_183 = arith.constant 3072 : i32
      %dma_wait3A_184 = tpu.memref_slice %arg18[%dma_wait3A_183] : memref<5120xf32, #tpu.memory_space<vmem>> -> memref<1024xf32, #tpu.memory_space<vmem>>
      tpu.wait_dma2 semaphore(%run_scoped3A : memref<!tpu.dma_semaphore, #tpu.memory_space<semaphore_mem>>) src(%dma_wait3A_184 : memref<1024xf32, #tpu.memory_space<vmem>>) dst(%dma_wait3A_182 : memref<1024xf32, #tpu.memory_space<hbm>>)
      tpu.yield
    }) : () -> ()
    %mul3A_168 = arith.constant 5 : i32
    %mul3A_169 = arith.muli %arg0, %mul3A_168 : i32
    %add3A_170 = arith.constant 4 : i32
    %add3A_171 = arith.addi %mul3A_169, %add3A_170 : i32
    %mul3A_172 = arith.constant 16384 : i32
    %mul3A_173 = arith.muli %add3A_171, %mul3A_172 : i32
    %add3A_174 = arith.addi %mul3A_173, %mul3A_2 : i32
    "tpu.region"() ({
      %run_scoped3A = tpu.sem_alloc : memref<!tpu.dma_semaphore, #tpu.memory_space<semaphore_mem>>
      %dma_start3A = arith.constant 4096 : i32
      %dma_start3A_175 = tpu.memref_slice %arg18[%dma_start3A] : memref<5120xf32, #tpu.memory_space<vmem>> -> memref<1024xf32, #tpu.memory_space<vmem>>
      %dma_start3A_176 = tpu.memref_slice %arg6[%add3A_174] : memref<163840xf32, #tpu.memory_space<hbm>> -> memref<1024xf32, #tpu.memory_space<hbm>>
      %dma_start3A_177 = tpu.memref_slice %arg6[%add3A_174] : memref<163840xf32, #tpu.memory_space<hbm>> -> memref<1024xf32, #tpu.memory_space<hbm>>
      %dma_start3A_178 = arith.constant 4096 : i32
      %dma_start3A_179 = tpu.memref_slice %arg18[%dma_start3A_178] : memref<5120xf32, #tpu.memory_space<vmem>> -> memref<1024xf32, #tpu.memory_space<vmem>>
      tpu.enqueue_dma source(%dma_start3A_179 : memref<1024xf32, #tpu.memory_space<vmem>>) target(%dma_start3A_177 : memref<1024xf32, #tpu.memory_space<hbm>>) target_semaphore(%run_scoped3A : memref<!tpu.dma_semaphore, #tpu.memory_space<semaphore_mem>>)
      %dma_wait3A = arith.constant 4096 : i32
      %dma_wait3A_180 = tpu.memref_slice %arg18[%dma_wait3A] : memref<5120xf32, #tpu.memory_space<vmem>> -> memref<1024xf32, #tpu.memory_space<vmem>>
      %dma_wait3A_181 = tpu.memref_slice %arg6[%add3A_174] : memref<163840xf32, #tpu.memory_space<hbm>> -> memref<1024xf32, #tpu.memory_space<hbm>>
      %dma_wait3A_182 = tpu.memref_slice %arg6[%add3A_174] : memref<163840xf32, #tpu.memory_space<hbm>> -> memref<1024xf32, #tpu.memory_space<hbm>>
      %dma_wait3A_183 = arith.constant 4096 : i32
      %dma_wait3A_184 = tpu.memref_slice %arg18[%dma_wait3A_183] : memref<5120xf32, #tpu.memory_space<vmem>> -> memref<1024xf32, #tpu.memory_space<vmem>>
      tpu.wait_dma2 semaphore(%run_scoped3A : memref<!tpu.dma_semaphore, #tpu.memory_space<semaphore_mem>>) src(%dma_wait3A_184 : memref<1024xf32, #tpu.memory_space<vmem>>) dst(%dma_wait3A_182 : memref<1024xf32, #tpu.memory_space<hbm>>)
      tpu.yield
    }) : () -> ()
    return
  }
}

</mosaic_0001>

<sc_bundles>
// kernel: kernel.3.cloned.1.call-start
scs
__scs_entry_jumppad:
0x0: {  	(pc) =	sbr.rel $0x88, $3  }
0x1: {  	(tag) =	ssettag $0x0;
	lr =	simm.s32 $0x1  }
0x2: {  	[smem:$0x3F9D] =	sst lr;
	_ =	strace $0xD0000000  }
0x3: {  	_ = 	snop  }
0x4: {  	_ = 	snop  }
0x5: {  	_ = 	snop  }
0x6: {  	_ = 	snop  }
0x7: {  	_ = 	snop  }
__scs_overlays_trampoline_lowered:
0x8: {  	[smem:$0x3FAC] =	sst s0  }
0x9: {  	[smem:$0x3FAD] =	sst s1  }
0xa: {  	[smem:$0x3FAE] =	sst s2  }
0xb: {  	[smem:$0x3FAF] =	sst s3  }
0xc: {  	[smem:$0x3FB0] =	sst s4  }
0xd: {  	[smem:$0x3FB1] =	sst s5  }
0xe: {  	[smem:$0x3FB2] =	sst s6  }
0xf: {  	[smem:$0x3FB3] =	sst s7  }
0x10: {  	[smem:$0x3FB4] =	sst s8  }
0x11: {  	[smem:$0x3FB5] =	sst s9;
	s0 =	simm.s32 @!p0 $0x0  }
0x12: {  	s1 =	sld [smem:$0x3F9B];
	s0 =	simm.s32 @p0 $0x1  }
0x13: {  	[smem:$0x3FB6] =	sst s0;
	s0 =	simm.s32 @!p1 $0x0  }
0x14: {  	s2 =	sld [smem:$0x3F9A];
	s0 =	simm.s32 @p1 $0x1  }
0x15: {  	[smem:$0x3FB7] =	sst s0;
	s0 =	simm.s32 @!p2 $0x0  }
0x16: {  	s3 =	sld [smem:$0x3FDB];
	s0 =	simm.s32 @p2 $0x1  }
0x17: {  	s4 =	simm.s32 $0x1BF5;
	[smem:$0x3FB9] =	sst s0  }
0x18: {  	s0 =	sld [smem:$0x3F9C];
	_ =	swait.ge [sflag:s4], $0x0  }
0x19: {  	s7 =	sld [smem:$0x3F9D]  }
0x1a: {  	s8 =	sadd.s32 $0xFFFFE003, lr  }
0x1b: {  	s9 =	sadd.s32 $0xFFFFFEF7, lr;
	s5 =	simm.s32 $0xFFFFFFFF;
	p2 =	slt.u32 s8, $0xFFFFF086  }
0x1c: {  	p1 =	slt.u32 s9, $0xF7A;
	s5 =	simm.s32 @!p2 $0x0  }
0x1d: {  	s5 =	simm.s32 @p1 $0x1;
	p0 =	seq.s32 s7, s2  }
0x1e: {  	s7 =	smul.u32 @!p0 $0xF7A, s2;
	p2 =	seq.s32 @!p0 s5, $0x0  }
0x1f: {  	s9 =	smul.u32 $0xF7A, s1;
	s8 =	simm.s32 @!p0 $0x1BF5;
	p2 =	por !p2, p0  }
0x20: {  	[sflag:s8] =	ssyncset.s32 @!p0 $0xFFFFF086;
	s6 =	sadd.s32 @!p0 s3, s7;
	s7 =	simm.s32 @!p0 $0x108  }
0x21: {  	s3 =	sadd.s32 s3, s9;
	s6 =	sadd.s32 @!p0 $0x88, s6;
	s7 =	simm.s32 @p2 $0x1082  }
0x22: {  	[simem:s7], [sflag:s8] =	dma.local @!p0 [hbm:s6], $0xF7A  }
0x23: {  	s9 =	sor.u32 $0xD0000000, s2;
	s6 =	simm.s32 $0x108;
	_ =	swait.ge @!p0 [sflag:s8], $0x0  }
0x24: {  	s3 =	sadd.s32 $0x88, s3;
	s6 =	simm.s32 @!p1 $0x1082;
	[sflag:s4] =	ssyncset.s32 $0xFFFFF086  }
0x25: {  	[simem:s6], [sflag:s4] =	dma.local [hbm:s3], $0xF7A  }
0x26: {  	[smem:$0x3F9D] =	sst s1;
	(tag) =	ssettag s2;
	_ =	strace s9  }
0x27: {  	s1 =	sld [smem:$0x3FAD]  }
0x28: {  	s2 =	sld [smem:$0x3FAE]  }
0x29: {  	s4 =	sld [smem:$0x3FB0]  }
0x2a: {  	p0 =	seq.s32 s5, $0x0;
	s5 =	sld [smem:$0x3FB1]  }
0x2b: {  	s6 =	sld [smem:$0x3FB2]  }
0x2c: {  	s7 =	sld [smem:$0x3FB3]  }
0x2d: {  	s3 =	simm.s32 $0x108;
	s8 =	sld [smem:$0x3FB4]  }
0x2e: {  	s3 =	simm.s32 @!p0 $0x1082;
	s9 =	sld [smem:$0x3FB5]  }
0x2f: {  	lr =	sadd.s32 s0, s3;
	s0 =	sld [smem:$0x3FAC]  }
0x30: {  	s3 =	sld [smem:$0x3FAF]  }
0x31: {  	[smem:$0x3FB8] =	sst s10  }
0x32: {  	s10 =	sld [smem:$0x3FB6];
	_ =	sdelay $0x3  }
0x33: {  	p0 =	seq.s32 s10, $0x1;
	s10 =	sld [smem:$0x3FB8];
	_ =	sdelay $0x3  }
0x34: {  	[smem:$0x3FB8] =	sst s10  }
0x35: {  	s10 =	sld [smem:$0x3FB7];
	_ =	sdelay $0x3  }
0x36: {  	p1 =	seq.s32 s10, $0x1;
	s10 =	sld [smem:$0x3FB8];
	_ =	sdelay $0x3  }
0x37: {  	[smem:$0x3FB8] =	sst s10  }
0x38: {  	s10 =	sld [smem:$0x3FB9]  }
0x39: {  	_ = 	snop;
	(pc) =	sbr.ind lr, $3  }
0x3a: {  	_ = 	snop  }
0x3b: {  	_ = 	snop  }
0x3c: {  	p2 =	seq.s32 s10, $0x1;
	s10 =	sld [smem:$0x3FB8]  }
0x3d: {  	_ =	shalt  }
0x3e: {  	_ =	shalt  }
0x3f: {  	_ =	shalt  }
0x40: {  	_ =	shalt  }
0x41: {  	_ =	shalt  }
0x42: {  	_ =	shalt  }
0x43: {  	_ =	shalt  }
0x44: {  	_ =	shalt  }
0x45: {  	_ =	shalt  }
0x46: {  	_ =	shalt  }
0x47: {  	_ =	shalt  }
0x48: {  	_ =	shalt  }
0x49: {  	_ =	shalt  }
0x4a: {  	_ =	shalt  }
0x4b: {  	_ =	shalt  }
0x4c: {  	_ =	shalt  }
0x4d: {  	_ =	shalt  }
0x4e: {  	_ =	shalt  }
0x4f: {  	_ =	shalt  }
0x50: {  	_ =	shalt  }
0x51: {  	_ =	shalt  }
0x52: {  	_ =	shalt  }
0x53: {  	_ =	shalt  }
0x54: {  	_ =	shalt  }
0x55: {  	_ =	shalt  }
0x56: {  	_ =	shalt  }
0x57: {  	_ =	shalt  }
0x58: {  	_ =	shalt  }
0x59: {  	_ =	shalt  }
0x5a: {  	_ =	shalt  }
0x5b: {  	_ =	shalt  }
0x5c: {  	_ =	shalt  }
0x5d: {  	_ =	shalt  }
0x5e: {  	_ =	shalt  }
0x5f: {  	_ =	shalt  }
0x60: {  	_ =	shalt  }
0x61: {  	_ =	shalt  }
0x62: {  	_ =	shalt  }
0x63: {  	_ =	shalt  }
0x64: {  	_ =	shalt  }
0x65: {  	_ =	shalt  }
0x66: {  	_ =	shalt  }
0x67: {  	_ =	shalt  }
0x68: {  	_ =	shalt  }
0x69: {  	_ =	shalt  }
0x6a: {  	_ =	shalt  }
0x6b: {  	_ =	shalt  }
0x6c: {  	_ =	shalt  }
0x6d: {  	_ =	shalt  }
0x6e: {  	_ =	shalt  }
0x6f: {  	_ =	shalt  }
0x70: {  	_ =	shalt  }
0x71: {  	_ =	shalt  }
0x72: {  	_ =	shalt  }
0x73: {  	_ =	shalt  }
0x74: {  	_ =	shalt  }
0x75: {  	_ =	shalt  }
0x76: {  	_ =	shalt  }
0x77: {  	_ =	shalt  }
0x78: {  	_ =	shalt  }
0x79: {  	_ =	shalt  }
0x7a: {  	_ =	shalt  }
0x7b: {  	_ =	shalt  }
0x7c: {  	_ =	shalt  }
0x7d: {  	_ =	shalt  }
0x7e: {  	_ =	shalt  }
0x7f: {  	_ =	shalt  }
0x80: {  	_ =	shalt  }
0x81: {  	_ =	shalt  }
0x82: {  	_ =	shalt  }
0x83: {  	_ =	shalt  }
0x84: {  	_ =	shalt  }
0x85: {  	_ =	shalt  }
0x86: {  	_ =	shalt  }
0x87: {  	_ =	shalt  }
.Lfunc_end0:
.L_simem_size_0:
called_computation_lowered:
.L_overlay_start_0:
0x88: {  	s2 =	sld [smem:$0x3FD9]  }
0x89: {  	s3 =	sld [smem:$0x3FFE];
	_ =	sdelay $0x1  }
0x8a: {  	s1 =	srdreg.scid  }
0x8b: {  	s0 =	sand.u32 $0x1, s1  }
0x8c: {  	s17 =	sshll.u32 s0, $0xA;
	s2 =	sadd.s32 s3, s2  }
0x8d: {  	s2 =	sadd.s32 s2, s17  }
0x8e: {  	[smem:$0x3FC4] =	sst s2  }
0x8f: {  	_ = 	snop  }
0x90: {  	s2 =	sld [smem:$0x3FC9]  }
0x91: {  	s18 =	sld [smem:$0x3FC7]  }
0x92: {  	s4 =	sld [smem:$0x3FC6]  }
0x93: {  	s5 =	sld [smem:$0x3FD0];
	(tm) =	ssettm $0x1  }
0x94: {  	s6 =	sld [smem:$0x3FFB];
	_ =	sdelay $0x3  }
0x95: {  	_ =	strace s6  }
0x96: {  	s6 =	sld [smem:$0x3FFC];
	_ =	sdelay $0x3  }
0x97: {  	_ =	strace s6  }
0x98: {  	s6 =	sld [smem:$0x3FFD];
	_ =	sdelay $0x3  }
0x99: {  	_ =	strace s6  }
0x9a: {  	_ =	strace $0x8FFFFFFF  }
0x9b: {  	s19 =	sld [smem:$0x3FDB];
	_ =	sdelay $0x1  }
0x9c: {  	s7 =	simm.s32 $_scs_section_size  }
0x9d: {  	s8 =	simm.s32 $_size__tile_overlayer_lowered;
	s9 =	simm.s32 $_tile_overlayer_lowered  }
0x9e: {  	s22 =	simm.s32 $0x1BFF;
	s21 =	sshll.u32 s9, $0x1;
	s6 =	sadd.s32 s7, s19  }
0x9f: {  	s10 =	simm.s32 $0x0;
	s20 =	sshll.u32 s8, $0x1;
	s8 =	sadd.s32 s21, s6  }
0xa0: {  	[timem:s10], [sflag:s22] =	dma.local [hbm:s8], s20  }
0xa1: {  	_ =	swait.ge [sflag:s22], s20  }
0xa2: {  	s7 =	ssub.s32 $0x0, s20;
	[sflag:s22] =	ssyncset.done $0x0  }
0xa3: {  	[sflag:s22] =	ssyncadd.s32 s7;
	_ =	sdelay $0x1  }
0xa4: {  	s23 =	simm.s32 $0x1B8B  }
0xa5: {  	_ =	swait.ge [sflag:s23], $0x1  }
0xa6: {  	[sflag:s23] =	ssyncset.done $0x0  }
0xa7: {  	s25 =	simm.s32 $0x1B8E;
	s24 =	sld [smem:$0x3FFE];
	[sflag:s23] =	ssyncadd.s32 $0xFFFFFFFF  }
0xa8: {  	s26 =	simm.s32 $execute0_lowered;
	[smem:$0x3FD2] =	sst s25  }
0xa9: {  	s8 =	sshll.u32 s26, $0x1;
	_ =	strace $0x80000046;
	[dreg:$0x1] =	wrdreg $0xFFFFFFFF  }
0xaa: {  	s28 =	simm.s32 $_size_execute0_lowered;
	s6 =	sadd.s32 s6, s8;
	[dreg:$0x0] =	wrdreg $0x0  }
0xab: {  	s8 =	sshll.u32 s28, $0x1;
	[dreg:$0x2] =	wrdreg s6  }
0xac: {  	[dreg:$0x3] =	wrdreg s8  }
0xad: {  	[dreg:$0x4] =	wrdreg $0xC0  }
0xae: {  	_ =	task [dreg:s10], $0x5FFFF  }
0xaf: {  	[dreg:$0x1] =	wrdreg $0xFFFFFFFF  }
0xb0: {  	[dreg:$0x0] =	wrdreg $0x60  }
0xb1: {  	[dreg:$0x2] =	wrdreg s18  }
0xb2: {  	[dreg:$0x3] =	wrdreg s4  }
0xb3: {  	[dreg:$0x4] =	wrdreg s2  }
0xb4: {  	[dreg:$0x5] =	wrdreg s5  }
0xb5: {  	[dreg:$0x6] =	wrdreg s24  }
0xb6: {  	[dreg:$0x7] =	wrdreg $0x0  }
0xb7: {  	[dreg:$0x8] =	wrdreg $0x123100  }
0xb8: {  	[dreg:$0x9] =	wrdreg $0x91880  }
0xb9: {  	[dreg:$0xa] =	wrdreg $0x9  }
0xba: {  	_ =	task.clear_ibuf [dreg:s10], $0xBFFFF;
	_ =	strace $0x90000046  }
0xbb: {  	s29 =	simm.s32 $0x9;
	_ =	strace $0x80000048  }
0xbc: {  	_ =	swait.ge [sflag:s29], $0x1  }
0xbd: {  	[sflag:s29] =	ssyncadd.s32 $0xFFFFFFFF  }
0xbe: {  	_ =	strace $0x90000048  }
0xbf: {  	_ =	sfence  }
0xc0: {  	s30 =	sld [smem:$0x0];
	_ =	sdelay $0x2  }
0xc1: {  	s31 =	sshll.u32 s1, $0xD;
	s1 =	sshrl.u32 s1, $0x2  }
0xc2: {  	s3 =	sand.u32 $0x4000, s31;
	s1 =	sadd.s32 s1, s30  }
0xc3: {  	s0 =	sor.u32 s3, s0;
	s1 =	sshll.u32 s1, $0x11  }
0xc4: {  	s0 =	sor.u32 s1, s0  }
0xc5: {  	s0 =	sadd.s32 $0x8F2B, s0  }
0xc6: {  	[sflag:s0] =	ssyncadd.remote.s32 $0x1  }
0xc7: {  	_ =	sfence.sel $0xFFFF  }
0xc8: {  	[dreg:$0x0] =	wrdreg $0xFFFFFFFF;
	(pc) =	sbr.abs _section_cstart, $3  }
0xc9: {  	[dreg:$0x1] =	wrdreg $0xFFFFFFFF  }
0xca: {  	_ =	task.clear_ibuf [dreg:s10], $0x2FFFF;
	_ =	strace $0x9FFFFFFF  }
0xcb: {  	(tm) =	ssettm $0x7FFFFFFF  }
tec
execute0_lowered:
.L_overlay_start_1:
0x0: {  	(tag) =	ssettag $0x1  }
0x1: {  	s0 =	rddreg [dreg:$0x0]  }
0x2: {  	s1 =	rddreg [dreg:$0x1]  }
0x3: {  	s2 =	rddreg [dreg:$0x2]  }
0x4: {  	s6 =	rddreg [dreg:$0x3]  }
0x5: {  	s8 =	rddreg [dreg:$0x4]  }
0x6: {  	s3 =	rddreg [dreg:$0x5]  }
0x7: {  	s4 =	rddreg [dreg:$0x6]  }
0x8: {  	s5 =	rddreg [dreg:$0x7];
	s7 =	srdreg.scid  }
0x9: {  	s14 =	simm.s32 $0x0;
	s30 =	simm.s32 $0x80;
	s31 =	simm.s32 $0x5  }
0xa: {  	s9 =	sand.u32 $0x1, s7;
	[smem:$0x7FF] =	sst s14;
	s7 =	stileid.u32  }
0xb: {  	s12 =	sadd.s32 $0x400, s8;
	s10 =	ssub.s32 $0x2, s9;
	_ =	strace $0x80000047  }
0xc: {  	s28 =	sshll.u32 s7, $0x7;
	s8 =	sshll.u32 s9, $0x5;
	s29 =	smul.u32 $0x14000, s9  }
0xd: {  	s13 =	sshll.u32 s7, $0xA;
	s18 =	smul.u32 $0x3D0A00, s9;
	p3 =	seq.s32 s7, $0x1  }
0xe: {  	p0 =	sne.s32 s7, $0x0;
	s11 =	sshrl.u32 s10, $0x1;
	s15 =	sadd.s32 s6, s28  }
0xf: {  	s2 =	sadd.s32 s2, s28;
	p1 =	sne.s32 @!p3 s7, $0x0;
	p2 =	sne.s32 @p0 s7, $0x2  }
0x10: {  	s10 =	ssub.s32 s10, s11;
	[dreg:$0xa] =	wrdreg s2;
	s16 =	sadd.s32 $0x800, s15  }
0x11: {  	s17 =	sadd.s32 $0x1000, s15;
	s6 =	sor.u32 s13, s29;
	[dreg:$0x9] =	wrdreg s15  }
0x12: {  	s19 =	sadd.s32 $0x1800, s15;
	s20 =	sadd.s32 $0x2000, s15;
	[dreg:$0xb] =	wrdreg s16  }
0x13: {  	s2 =	sadd.s32 s0, s18;
	p4 =	por p1, p3;
	[dreg:$0xc] =	wrdreg s17  }
0x14: {  	p1 =	por !p1, p3;
	p5 =	por p2, !p0;
	[dreg:$0xd] =	wrdreg s19  }
0x15: {  	[dreg:$0xe] =	wrdreg s20;
	s21 =	sadd.s32 $0x4000, s6;
	s22 =	sshrl.u32 s6, $0x3  }
0x16: {  	[dreg:$0xf] =	wrdreg s2;
	s24 =	sadd.s32 $0x8000, s6;
	s2 =	sadd.s32 s12, s22  }
0x17: {  	s25 =	sadd.s32 $0xC000, s6;
	[dreg:$0x10] =	wrdreg s2;
	s2 =	sshrl.u32 s24, $0x3  }
0x18: {  	s6 =	sadd.s32 $0x10000, s6;
	s26 =	sshrl.u32 s25, $0x3;
	s2 =	sadd.s32 s12, s2  }
0x19: {  	s29 =	smax.u32 s10, $0x1;
	[dreg:$0x12] =	wrdreg s2;
	s2 =	sadd.s32 s12, s26  }
0x1a: {  	s9 =	sshrl.u32 s21, $0x3;
	[dreg:$0x13] =	wrdreg s2;
	s2 =	simm.s32 @!p4 $0x0  }
0x1b: {  	s6 =	sshrl.u32 s6, $0x3;
	[dreg:$0x15] =	wrdreg s29;
	s2 =	simm.s32 @p4 $0x1  }
0x1c: {  	s23 =	sadd.s32 s12, s9;
	[smem:$0x7FA] =	sst s2;
	s2 =	simm.s32 @!p3 $0x0  }
0x1d: {  	s28 =	sadd.s32 s12, s6;
	[dreg:$0x11] =	wrdreg s23;
	s2 =	simm.s32 @p3 $0x1  }
.Ltmp0:
0x1e: {  	[smem:$0x7FB] =	sst s2;
	s2 =	simm.s32 @!p1 $0x0;
	(pc) =	sbr.rel .LBB2_1-.Ltmp0, $4  }
0x1f: {  	[dreg:$0x14] =	wrdreg s28;
	s2 =	simm.s32 @p1 $0x1;
	p1 =	por !p2, !p0  }
0x20: {  	s22 =	simm.s32 $0x1D630;
	[smem:$0x7FC] =	sst s2;
	s2 =	simm.s32 @!p1 $0x0  }
0x21: {  	v0 =	vimm.s32 $0x0;
	v1 =	vimm.s32 $0x400;
	s23 =	simm.s32 $0x6;
	p2 =	sne.s32 s7, $0x3;
	s2 =	simm.s32 @p1 $0x1  }
0x22: {  	v2 =	vimm.s32 $0x1400;
	v3 =	vlaneseq.u32;
	v4 =	vimm.f32 $0.0e+00;
	s7 =	simm.s32 $0x0;
	[smem:$0x7FD] =	sst s2;
	s2 =	simm.s32 $0x1D1B0  }
.LBB2_76:
0x23: {  	[bflag:$0x0] =	sbarrier.arrive $0xFFFF  }
0x24: {  	s14 =	simm.s32 $0x0;
	s7 =	simm.s32 $0x1EAB0;
	s6 =	rddreg [dreg:$0x10]  }
0x25: {  	[hbm4b:s6+s14] =	stream.linear.scatter [tilespmem:s7], [sflag:$0x6], $0x400, $0x38;
	[tilespmem:$0x1FEB0] =	vst v63  }
0x26: {  	_ =	swait.ge [sflag:s23], $0x400  }
0x27: {  	[sflag:s23] =	ssyncset.done $0x0  }
0x28: {  	s18 =	simm.s32 $0x1EEB0;
	s17 =	rddreg [dreg:$0x11];
	[sflag:s23] =	ssyncadd.s32 $0xFFFFFC00  }
0x29: {  	[hbm4b:s17+s14] =	stream.linear.scatter [tilespmem:s18], [sflag:$0x6], $0x400, $0x38;
	[tilespmem:$0x1FEB0] =	vst v63  }
0x2a: {  	_ =	swait.ge [sflag:s23], $0x400  }
0x2b: {  	[sflag:s23] =	ssyncset.done $0x0  }
0x2c: {  	s20 =	simm.s32 $0x1F2B0;
	s19 =	rddreg [dreg:$0x12];
	[sflag:s23] =	ssyncadd.s32 $0xFFFFFC00  }
0x2d: {  	[hbm4b:s19+s14] =	stream.linear.scatter [tilespmem:s20], [sflag:$0x6], $0x400, $0x38;
	[tilespmem:$0x1FEB0] =	vst v63  }
0x2e: {  	_ =	swait.ge [sflag:s23], $0x400  }
0x2f: {  	[sflag:s23] =	ssyncset.done $0x0  }
0x30: {  	s24 =	simm.s32 $0x1F6B0;
	s21 =	rddreg [dreg:$0x13];
	[sflag:s23] =	ssyncadd.s32 $0xFFFFFC00  }
0x31: {  	[hbm4b:s21+s14] =	stream.linear.scatter [tilespmem:s24], [sflag:$0x6], $0x400, $0x38;
	[tilespmem:$0x1FEB0] =	vst v63  }
0x32: {  	_ =	swait.ge [sflag:s23], $0x400  }
0x33: {  	[sflag:s23] =	ssyncset.done $0x0  }
0x34: {  	s26 =	simm.s32 $0x1FAB0;
	s25 =	rddreg [dreg:$0x14];
	[sflag:s23] =	ssyncadd.s32 $0xFFFFFC00  }
0x35: {  	[hbm4b:s25+s14] =	stream.linear.scatter [tilespmem:s26], [sflag:$0x6], $0x400, $0x38;
	[tilespmem:$0x1FEB0] =	vst v63  }
0x36: {  	_ =	swait.ge [sflag:s23], $0x400  }
0x37: {  	s28 =	rddreg [dreg:$0x16]  }
0x38: {  	s29 =	rddreg [dreg:$0x15];
	s7 =	sadd.s32 $0x1, s28  }
0x39: {  	p1 =	sne.s32 s7, s29  }
.Ltmp1:
0x3a: {  	_ = 	snop;
	(pc) =	sbr.rel @!p1 .LBB2_77-.Ltmp1, $3  }
0x3b: {  	_ =	sdelay $0x1  }
0x3c: {  	[sflag:s23] =	ssyncset.done $0x0  }
0x3d: {  	[sflag:s23] =	ssyncadd.s32 $0xFFFFFC00  }
.LBB2_1:
0x3e: {  	[dreg:$0x16] =	wrdreg s7  }
0x3f: {  	s6 =	rddreg [dreg:$0xa];
	s16 =	simm.s32 $0x185B0  }
0x40: {  	[tilespmem:s16], [sflag:$0x6] =	stream.linear.gather [hbm4b:s6+s14], $0x400, $0x38;
	[tilespmem:$0x1FEB0] =	vst v63  }
0x41: {  	_ =	swait.ge [sflag:s23], $0x400  }
0x42: {  	[sflag:s23] =	ssyncset.done $0x0  }
0x43: {  	s18 =	simm.s32 $0x189B0;
	s17 =	rddreg [dreg:$0x9];
	[sflag:s23] =	ssyncadd.s32 $0xFFFFFC00  }
0x44: {  	[tilespmem:s18], [sflag:$0x6] =	stream.linear.gather [hbm4b:s17+s14], $0x400, $0x38;
	[tilespmem:$0x1FEB0] =	vst v63  }
0x45: {  	_ =	swait.ge [sflag:s23], $0x400  }
0x46: {  	[sflag:s23] =	ssyncset.done $0x0  }
0x47: {  	s20 =	simm.s32 $0x18DB0;
	s19 =	rddreg [dreg:$0xb];
	[sflag:s23] =	ssyncadd.s32 $0xFFFFFC00  }
0x48: {  	[tilespmem:s20], [sflag:$0x6] =	stream.linear.gather [hbm4b:s19+s14], $0x400, $0x38;
	[tilespmem:$0x1FEB0] =	vst v63  }
0x49: {  	_ =	swait.ge [sflag:s23], $0x400  }
0x4a: {  	[sflag:s23] =	ssyncset.done $0x0  }
0x4b: {  	s24 =	simm.s32 $0x191B0;
	s21 =	rddreg [dreg:$0xc];
	[sflag:s23] =	ssyncadd.s32 $0xFFFFFC00  }
0x4c: {  	[tilespmem:s24], [sflag:$0x6] =	stream.linear.gather [hbm4b:s21+s14], $0x400, $0x38;
	[tilespmem:$0x1FEB0] =	vst v63  }
0x4d: {  	_ =	swait.ge [sflag:s23], $0x400  }
0x4e: {  	[sflag:s23] =	ssyncset.done $0x0  }
0x4f: {  	s26 =	simm.s32 $0x195B0;
	s25 =	rddreg [dreg:$0xd];
	[sflag:s23] =	ssyncadd.s32 $0xFFFFFC00  }
0x50: {  	[tilespmem:s26], [sflag:$0x6] =	stream.linear.gather [hbm4b:s25+s14], $0x400, $0x38;
	[tilespmem:$0x1FEB0] =	vst v63  }
0x51: {  	_ =	swait.ge [sflag:s23], $0x400  }
0x52: {  	[sflag:s23] =	ssyncset.done $0x0  }
0x53: {  	s29 =	simm.s32 $0x199B0;
	s28 =	rddreg [dreg:$0xe];
	[sflag:s23] =	ssyncadd.s32 $0xFFFFFC00  }
0x54: {  	[tilespmem:s29], [sflag:$0x6] =	stream.linear.gather [hbm4b:s28+s14], $0x400, $0x38;
	[tilespmem:$0x1FEB0] =	vst v63  }
0x55: {  	_ =	swait.ge [sflag:s23], $0x400  }
0x56: {  	[sflag:s23] =	ssyncset.done $0x0  }
0x57: {  	s9 =	simm.s32 $0x0;
	s6 =	simm.s32 $0x40;
	[sflag:s23] =	ssyncadd.s32 $0xFFFFFC00  }
.LBB2_2:
0x58: {  	p1 =	sne.s32 s6, $0x13C0;
	[tilespmem:s9+$0x19DB0] =	vst v0;
	s9 =	smov.u32 s6;
	s6 =	sadd.s32 $0x40, s6  }
.Ltmp2:
0x59: {  	(pc) =	sbr.rel @p1 .LBB2_2-.Ltmp2, $2  }
0x5a: {  	_ =	sdelay $0x2  }
0x5b: {  	s9 =	sshra.s32 s9, $0x2  }
0x5c: {  	[tilespmem:s9+$0x19DB0] =	vst v0;
	s6 =	simm.s32 $0x40;
	s9 =	simm.s32 $0x0  }
.LBB2_4:
0x5d: {  	p1 =	sne.s32 s6, $0x53C0;
	[tilespmem:s9+$0x1A7B0] =	vst v0;
	s9 =	smov.u32 s6;
	s6 =	sadd.s32 $0x40, s6  }
.Ltmp3:
0x5e: {  	(pc) =	sbr.rel @p1 .LBB2_4-.Ltmp3, $2  }
0x5f: {  	_ =	sdelay $0x2  }
0x60: {  	s9 =	sshra.s32 s9, $0x2  }
0x61: {  	[tilespmem:s9+$0x1A7B0] =	vst v0;
	s6 =	simm.s32 $0x40;
	s9 =	simm.s32 $0x0  }
.LBB2_6:
0x62: {  	p1 =	sne.s32 s6, $0x13C0;
	[tilespmem:s9+$0x1A2B0] =	vst v1;
	s9 =	smov.u32 s6;
	s6 =	sadd.s32 $0x40, s6  }
.Ltmp4:
0x63: {  	(pc) =	sbr.rel @p1 .LBB2_6-.Ltmp4, $2  }
0x64: {  	_ =	sdelay $0x2  }
0x65: {  	s9 =	sshra.s32 s9, $0x2  }
0x66: {  	[tilespmem:s9+$0x1A2B0] =	vst v1;
	s10 =	simm.s32 $0x0;
	s6 =	simm.s32 $0x40;
	s9 =	simm.s32 $0x0  }
.LBB2_8:
0x67: {  	p1 =	sne.s32 s6, $0x53C0;
	[tilespmem:s9+$0x1BCB0] =	vst v2;
	s9 =	smov.u32 s6;
	s6 =	sadd.s32 $0x40, s6  }
.Ltmp5:
0x68: {  	(pc) =	sbr.rel @p1 .LBB2_8-.Ltmp5, $2  }
0x69: {  	_ =	sdelay $0x2  }
0x6a: {  	s9 =	sshra.s32 s9, $0x2  }
0x6b: {  	[tilespmem:s9+$0x1BCB0] =	vst v2;
	s6 =	simm.s32 $0x0  }
0x6c: {  	v5 =	vld [tilespmem:s6+$0x185B0]  }
0x6d: {  	s25 =	simm.s32 $0x10  }
0x6e: {  	s26 =	simm.s32 $0x20;
	v6 =	vld [tilespmem:s25+$0x185B0]  }
0x6f: {  	v7 =	vld [tilespmem:s26+$0x185B0];
	_ =	sdelay $0x1  }
0x70: {  	vm0 =	vlt.s32 v5, $0x91880  }
0x71: {  	v5 =	vsel vm0, $0x1, v0  }
0x72: {  	vm13 =	vlt.s32 v6, $0x91880;
	(xrf0) =	vadd.scan.msk.s32 $0xffff, v5  }
0x73: {  	vm14 =	vlt.s32 v7, $0x91880;
	v5 =	vsel vm13, $0x1, v0  }
0x74: {  	(xrf0) =	vadd.scan.msk.s32 $0xffff, v5;
	v5 =	vsel vm14, $0x1, v0  }
0x75: {  	s28 =	simm.s32 $0x30;
	(xrf0) =	vadd.scan.msk.s32 $0xffff, v5  }
0x76: {  	v6 =	vld [tilespmem:s28+$0x185B0];
	_ =	sdelay $0x1  }
0x77: {  	v5, _, _ =	vpop (xrf0)  }
0x78: {  	(v2sf) =	vpush v5, $0xF  }
0x79: {  	v5, _, _ =	vpop (xrf0)  }
0x7a: {  	vm15 =	vlt.s32 v6, $0x91880;
	(v2sf) =	vpush v5, $0xF;
	v6, _, _ =	vpop (xrf0)  }
0x7b: {  	(v2sf) =	vpush v6, $0xF;
	_ =	sdelay $0x5  }
0x7c: {  	s29 =	simm.s32 $0x40;
	v5 =	vsel vm15, $0x1, v0  }
0x7d: {  	(xrf0) =	vadd.scan.msk.s32 $0xffff, v5;
	v5 =	vld [tilespmem:s29+$0x185B0];
	_ =	sdelay $0x1  }
0x7e: {  	s6 =	simm.s32 $0x140  }
.LBB2_10:
0x7f: {  	p1 =	sne.s32 s6, $0xFC0  }
.Ltmp6:
0x80: {  	s9 =	sshra.s32 s6, $0x2;
	(pc) =	sbr.rel @p1 .LBB2_10-.Ltmp6, $4  }
0x81: {  	s6 =	sadd.s32 $0x40, s6;
	s11 =	spop (v2sf);
	vm0 =	vlt.s32 v5, $0x91880  }
0x82: {  	s10 =	sadd.s32 s10, s11;
	v5 =	vld [tilespmem:s9+$0x185B0];
	v7 =	vsel vm0, $0x1, v0  }
0x83: {  	(xrf0) =	vadd.scan.msk.s32 $0xffff, v7;
	v6, _, _ =	vpop (xrf0)  }
0x84: {  	(v2sf) =	vpush v6, $0xF  }
0x85: {  	_ =	sdelay $0x1  }
0x86: {  	vm0 =	vlt.s32 v5, $0x91880  }
0x87: {  	v5 =	vsel vm0, $0x1, v0  }
0x88: {  	(xrf0) =	vadd.scan.msk.s32 $0xffff, v5;
	_ =	sdelay $0x4  }
0x89: {  	v5, _, _ =	vpop (xrf0)  }
0x8a: {  	(v2sf) =	vpush v5, $0xF;
	v5, _, _ =	vpop (xrf0)  }
0x8b: {  	(v2sf) =	vpush v5, $0xF;
	_ =	sdelay $0x6  }
0x8c: {  	s6 =	simm.s32 $0x185B0  }
0x8d: {  	v5 =	vld [tilespmem:s6+$0x0];
	_ =	sdelay $0x2  }
0x8e: {  	s19 =	spop (v2sf)  }
0x8f: {  	s9 =	spop (v2sf);
	s6 =	sadd.s32 s10, s19  }
0x90: {  	s6 =	sadd.s32 s6, s9;
	s20 =	spop (v2sf);
	vm0 =	vlt.s32 v5, $0x91880  }
0x91: {  	s6 =	sadd.s32 s6, s20;
	v6 =	vsel vm0, $0x1, v0;
	s21 =	spop (v2sf)  }
0x92: {  	(xrf0) =	vadd.scan.msk.s32 $0xffff, v6;
	s6 =	sadd.s32 s6, s21;
	s24 =	spop (v2sf)  }
0x93: {  	s20 =	sadd.s32 s6, s24  }
0x94: {  	s6 =	sadd.s32 $0x7F, s20  }
0x95: {  	s25 =	sand.u32 $0x7F, s6  }
0x96: {  	s26 =	sshra.s32 s6, $0x1F;
	p1 =	slt.s32 s6, $0x1;
	p3 =	sne.s32 s25, $0x0  }
0x97: {  	s28 =	sshrl.u32 s26, $0x19;
	p1 =	por !p1, !p3  }
0x98: {  	s9 =	simm.s32 $0x1;
	v6, _, _ =	vpop (xrf0);
	s6 =	sadd.s32 s28, s6;
	p1 =	por !p1, !p1  }
0x99: {  	s10 =	simm.s32 $0x0;
	(v2sf) =	vpush v6, $0xF;
	s14 =	sshra.s32 s6, $0x7;
	s9 =	simm.s32 @!p1 $0x0  }
0x9a: {  	[tilespmem:s10+$0x19DB0] =	vst.msk vm0, v5;
	v6 =	vor.u32 s10, v3;
	s25 =	ssub.s32 s14, s9  }
0x9b: {  	vm1 =	vge.s32 v5, $0x91880;
	v5 =	vadd.s32 $0xFFF6E780, v5;
	[tilespmem:s10+$0x1A2B0] =	vst.msk vm0, v6;
	s29 =	sshll.u32 s25, $0x7  }
0x9c: {  	[tilespmem:s29+$0x19DB0] =	vst.msk vm1, v5  }
0x9d: {  	s9 =	simm.s32 $0x185C0;
	[tilespmem:s29+$0x1A2B0] =	vst.msk vm1, v6  }
0x9e: {  	v5 =	vld [tilespmem:s9+$0x0];
	_ =	sdelay $0x4  }
0x9f: {  	vm0 =	vlt.s32 v5, $0x91880  }
0xa0: {  	v6 =	vsel vm0, $0x1, v0  }
0xa1: {  	(xrf0) =	vadd.scan.msk.s32 $0xffff, v6;
	_ =	sdelay $0x1  }
0xa2: {  	s16 =	simm.s32 $0xFFFFFFFF  }
0xa3: {  	s12 =	simm.s32 $0x10;
	s13 =	simm.s32 $0x20;
	s15 =	spop (v2sf)  }
0xa4: {  	s16 =	simm.s32 @!p1 $0x0;
	s11 =	sadd.s32 $0x0, s15;
	s6 =	ssub.s32 s29, s15  }
.LBB2_12:
0xa5: {  	p1 =	sne.s32 s13, $0x3F0  }
0xa6: {  	v6, _, _ =	vpop (xrf0);
	s6 =	sadd.s32 $0x10, s6;
	s15 =	smov.u32 s13;
	s13 =	sadd.s32 $0x10, s13  }
0xa7: {  	v7 =	vor.u32 s12, v3;
	[tilespmem:s11+$0x19DB0] =	vst.msk vm0, v5;
	(v2sf) =	vpush v6, $0xF;
	s12 =	smov.u32 s15  }
0xa8: {  	vm1 =	vge.s32 v5, $0x91880;
	v5 =	vadd.s32 $0xFFF6E780, v5;
	[tilespmem:s11+$0x1A2B0] =	vst.msk vm0, v7  }
0xa9: {  	[tilespmem:s6+$0x19DB0] =	vst.msk vm1, v5  }
0xaa: {  	s9 =	sadd.s32 $0x10, s9;
	[tilespmem:s6+$0x1A2B0] =	vst.msk vm1, v7  }
0xab: {  	v5 =	vld [tilespmem:s9+$0x0];
	_ =	sdelay $0x4  }
0xac: {  	vm0 =	vlt.s32 v5, $0x91880  }
0xad: {  	v6 =	vsel vm0, $0x1, v0  }
0xae: {  	(xrf0) =	vadd.scan.msk.s32 $0xffff, v6  }
.Ltmp7:
0xaf: {  	(pc) =	sbr.rel @p1 .LBB2_12-.Ltmp7, $3  }
0xb0: {  	_ =	sdelay $0x1  }
0xb1: {  	s15 =	spop (v2sf)  }
0xb2: {  	s11 =	sadd.s32 s11, s15;
	s6 =	ssub.s32 s6, s15  }
0xb3: {  	v6 =	vor.u32 s12, v3;
	[tilespmem:s11+$0x19DB0] =	vst.msk vm0, v5  }
0xb4: {  	s6 =	sadd.s32 $0x10, s6;
	vm1 =	vge.s32 v5, $0x91880;
	v5 =	vadd.s32 $0xFFF6E780, v5;
	[tilespmem:s11+$0x1A2B0] =	vst.msk vm0, v6  }
0xb5: {  	[tilespmem:s6+$0x19DB0] =	vst.msk vm1, v5  }
0xb6: {  	s21 =	simm.s32 $0x0;
	[tilespmem:s6+$0x1A2B0] =	vst.msk vm1, v6  }
0xb7: {  	v6 =	vld [tilespmem:s21+$0x189B0]  }
0xb8: {  	s24 =	simm.s32 $0x10;
	v5, _, _ =	vpop (xrf0)  }
0xb9: {  	s26 =	simm.s32 $0x20;
	(v2sf) =	vpush v5, $0xF;
	v5 =	vld [tilespmem:s24+$0x189B0]  }
0xba: {  	v7 =	vld [tilespmem:s26+$0x189B0];
	_ =	sdelay $0x1  }
0xbb: {  	vm12 =	vlt.s32 v6, $0x91880  }
0xbc: {  	v6 =	vsel vm12, $0x1, v0  }
0xbd: {  	vm13 =	vlt.s32 v5, $0x91880;
	(xrf0) =	vadd.scan.msk.s32 $0xffff, v6  }
0xbe: {  	vm14 =	vlt.s32 v7, $0x91880;
	v5 =	vsel vm13, $0x1, v0  }
0xbf: {  	(xrf0) =	vadd.scan.msk.s32 $0xffff, v5;
	v5 =	vsel vm14, $0x1, v0  }
0xc0: {  	(xrf0) =	vadd.scan.msk.s32 $0xffff, v5;
	_ =	sdelay $0x2  }
0xc1: {  	v5, _, _ =	vpop (xrf0)  }
0xc2: {  	(v2sf) =	vpush v5, $0xF  }
0xc3: {  	v5, _, _ =	vpop (xrf0)  }
0xc4: {  	(v2sf) =	vpush v5, $0xF;
	v7, _, _ =	vpop (xrf0)  }
0xc5: {  	s28 =	simm.s32 $0x30;
	s29 =	spop (v2sf);
	(v2sf) =	vpush v7, $0xF  }
0xc6: {  	v6 =	vld [tilespmem:s28+$0x189B0];
	_ =	sdelay $0x4  }
0xc7: {  	s9 =	simm.s32 $0x40;
	vm15 =	vlt.s32 v6, $0x91880  }
0xc8: {  	v6 =	vsel vm15, $0x1, v0;
	v5 =	vld [tilespmem:s9+$0x189B0]  }
0xc9: {  	(xrf0) =	vadd.scan.msk.s32 $0xffff, v6  }
0xca: {  	s6 =	simm.s32 $0x140  }
.LBB2_14:
0xcb: {  	p1 =	sne.s32 s6, $0x4FC0  }
.Ltmp8:
0xcc: {  	s9 =	sshra.s32 s6, $0x2;
	(pc) =	sbr.rel @p1 .LBB2_14-.Ltmp8, $4  }
0xcd: {  	s6 =	sadd.s32 $0x40, s6;
	s11 =	spop (v2sf);
	vm0 =	vlt.s32 v5, $0x91880  }
0xce: {  	s10 =	sadd.s32 s10, s11;
	v5 =	vld [tilespmem:s9+$0x189B0];
	v7 =	vsel vm0, $0x1, v0  }
0xcf: {  	(xrf0) =	vadd.scan.msk.s32 $0xffff, v7;
	v6, _, _ =	vpop (xrf0)  }
0xd0: {  	(v2sf) =	vpush v6, $0xF  }
0xd1: {  	_ =	sdelay $0x1  }
0xd2: {  	vm0 =	vlt.s32 v5, $0x91880  }
0xd3: {  	v5 =	vsel vm0, $0x1, v0  }
0xd4: {  	(xrf0) =	vadd.scan.msk.s32 $0xffff, v5;
	_ =	sdelay $0x4  }
0xd5: {  	v5, _, _ =	vpop (xrf0)  }
0xd6: {  	(v2sf) =	vpush v5, $0xF;
	v5, _, _ =	vpop (xrf0)  }
0xd7: {  	(v2sf) =	vpush v5, $0xF;
	_ =	sdelay $0x6  }
0xd8: {  	s6 =	simm.s32 $0x189B0  }
0xd9: {  	v5 =	vld [tilespmem:s6+$0x0];
	_ =	sdelay $0x2  }
0xda: {  	s13 =	spop (v2sf)  }
0xdb: {  	s9 =	spop (v2sf);
	s6 =	sadd.s32 s10, s13  }
0xdc: {  	s6 =	sadd.s32 s6, s9;
	s15 =	spop (v2sf);
	vm0 =	vlt.s32 v5, $0x91880  }
0xdd: {  	s6 =	sadd.s32 s6, s15;
	v6 =	vsel vm0, $0x1, v0;
	s17 =	spop (v2sf)  }
0xde: {  	(xrf0) =	vadd.scan.msk.s32 $0xffff, v6;
	s6 =	sadd.s32 s6, s17;
	s18 =	spop (v2sf)  }
0xdf: {  	s21 =	sadd.s32 s6, s18  }
0xe0: {  	s6 =	sadd.s32 $0x7F, s21  }
0xe1: {  	s19 =	sand.u32 $0x7F, s6  }
0xe2: {  	s24 =	sshra.s32 s6, $0x1F;
	p1 =	slt.s32 s6, $0x1;
	p3 =	sne.s32 s19, $0x0  }
0xe3: {  	s26 =	sshrl.u32 s24, $0x19;
	p1 =	por !p1, !p3  }
0xe4: {  	s9 =	simm.s32 $0x1;
	v6, _, _ =	vpop (xrf0);
	s6 =	sadd.s32 s26, s6;
	p1 =	por !p1, !p1  }
0xe5: {  	s28 =	simm.s32 $0x0;
	(v2sf) =	vpush v6, $0xF;
	s17 =	sshra.s32 s6, $0x7;
	s9 =	simm.s32 @!p1 $0x0  }
0xe6: {  	[tilespmem:s28+$0x1A7B0] =	vst.msk vm0, v5;
	v6 =	vor.u32 s28, v3;
	s26 =	ssub.s32 s17, s9  }
0xe7: {  	vm1 =	vge.s32 v5, $0x91880;
	v5 =	vadd.s32 $0xFFF6E780, v5;
	[tilespmem:s28+$0x1BCB0] =	vst.msk vm0, v6;
	s13 =	sshll.u32 s26, $0x7  }
0xe8: {  	[tilespmem:s13+$0x1A7B0] =	vst.msk vm1, v5  }
0xe9: {  	s9 =	simm.s32 $0x189C0;
	[tilespmem:s13+$0x1BCB0] =	vst.msk vm1, v6  }
0xea: {  	v5 =	vld [tilespmem:s9+$0x0];
	_ =	sdelay $0x4  }
0xeb: {  	vm0 =	vlt.s32 v5, $0x91880  }
0xec: {  	v6 =	vsel vm0, $0x1, v0  }
0xed: {  	(xrf0) =	vadd.scan.msk.s32 $0xffff, v6;
	_ =	sdelay $0x1  }
0xee: {  	s11 =	simm.s32 $0x10  }
0xef: {  	s12 =	simm.s32 $0x20;
	s18 =	simm.s32 $0xFFFFFFFF;
	s29 =	spop (v2sf)  }
0xf0: {  	s18 =	simm.s32 @!p1 $0x0;
	s10 =	sadd.s32 $0x0, s29;
	s6 =	ssub.s32 s13, s29  }
.LBB2_16:
0xf1: {  	p1 =	sne.s32 s12, $0x13F0  }
0xf2: {  	v6, _, _ =	vpop (xrf0);
	s6 =	sadd.s32 $0x10, s6;
	s13 =	smov.u32 s12;
	s12 =	sadd.s32 $0x10, s12  }
0xf3: {  	v7 =	vor.u32 s11, v3;
	[tilespmem:s10+$0x1A7B0] =	vst.msk vm0, v5;
	(v2sf) =	vpush v6, $0xF;
	s11 =	smov.u32 s13  }
0xf4: {  	vm1 =	vge.s32 v5, $0x91880;
	v5 =	vadd.s32 $0xFFF6E780, v5;
	[tilespmem:s10+$0x1BCB0] =	vst.msk vm0, v7  }
0xf5: {  	[tilespmem:s6+$0x1A7B0] =	vst.msk vm1, v5  }
0xf6: {  	s9 =	sadd.s32 $0x10, s9;
	[tilespmem:s6+$0x1BCB0] =	vst.msk vm1, v7  }
0xf7: {  	v5 =	vld [tilespmem:s9+$0x0];
	_ =	sdelay $0x4  }
0xf8: {  	vm0 =	vlt.s32 v5, $0x91880  }
0xf9: {  	v6 =	vsel vm0, $0x1, v0  }
0xfa: {  	(xrf0) =	vadd.scan.msk.s32 $0xffff, v6  }
.Ltmp9:
0xfb: {  	(pc) =	sbr.rel @p1 .LBB2_16-.Ltmp9, $3  }
0xfc: {  	_ =	sdelay $0x1  }
0xfd: {  	s13 =	spop (v2sf)  }
0xfe: {  	s10 =	sadd.s32 s10, s13;
	s6 =	ssub.s32 s6, s13  }
0xff: {  	v6, _, _ =	vpop (xrf0)  }
0x100: {  	(v2sf) =	vpush v6, $0xF;
	_ =	sdelay $0xb  }
0x101: {  	[tilespmem:s10+$0x1A7B0] =	vst.msk vm0, v5;
	v6 =	vor.u32 s11, v3  }
0x102: {  	s6 =	sadd.s32 $0x10, s6;
	vm1 =	vge.s32 v5, $0x91880;
	v5 =	vadd.s32 $0xFFF6E780, v5;
	[tilespmem:s10+$0x1BCB0] =	vst.msk vm0, v6  }
0x103: {  	[tilespmem:s6+$0x1A7B0] =	vst.msk vm1, v5  }
0x104: {  	s9 =	simm.s32 $0x0;
	[tilespmem:s6+$0x1BCB0] =	vst.msk vm1, v6;
	s6 =	simm.s32 $0x40;
	s29 =	spop (v2sf)  }
.LBB2_18:
0x105: {  	p1 =	sne.s32 s6, $0x4FC0;
	[tilespmem:s9+$0x1EAB0] =	vst v4;
	s9 =	smov.u32 s6;
	s6 =	sadd.s32 $0x40, s6  }
.Ltmp10:
0x106: {  	(pc) =	sbr.rel @p1 .LBB2_18-.Ltmp10, $2  }
0x107: {  	_ =	sdelay $0x2  }
0x108: {  	s9 =	sshra.s32 s9, $0x2  }
0x109: {  	s6 =	sld [smem:$0x7FB];
	_ =	sdelay $0x2  }
0x10a: {  	s7 =	rddreg [dreg:$0xf];
	p4 =	seq.s32 s6, $0x1  }
0x10b: {  	s6 =	sadd.s32 @p4 $0x91880, s7;
	s10 =	sshrl.u32 @p4 s4, $0x3;
	s11 =	simm.s32 @p4 $0x1  }
0x10c: {  	[tilespmem:s9+$0x1EAB0] =	vst v4;
	s9 =	simm.s32 @p4 $0x10;
	s12 =	simm.s32 @p4 $0x80;
	s13 =	simm.s32 @p4 $0x1C42  }
0x10d: {  	[spmem:s10@s9], [sflag:s13] =	dma.strided @p4 [hbm:s6@s12], $0xC540, s11, $0x10   }
0x10e: {  	s6 =	sld [smem:$0x7FA];
	_ =	sdelay $0x2  }
0x10f: {  	p1 =	seq.s32 s6, $0x1  }
0x110: {  	p3 =	por @p4 $0x1, $0x1;
	s6 =	sshrl.u32 @!p1 s3, $0x3;
	s9 =	simm.s32 @!p1 $0x1  }
0x111: {  	s10 =	simm.s32 @!p1 $0x10;
	s11 =	simm.s32 @!p1 $0x80;
	s12 =	simm.s32 @!p1 $0x1C01  }
0x112: {  	[spmem:s6@s10], [sflag:s12] =	dma.strided @!p1 [hbm:s7@s11], $0x12310, s9, $0x10   }
0x113: {  	s24 =	sadd.s32 $0xF, s20;
	s6 =	simm.s32 @!p3 $0x0  }
0x114: {  	s6 =	simm.s32 @p3 $0x1;
	p3 =	slt.s32 s24, $0x1  }
0x115: {  	s12 =	sand.u32 $0xF, s24;
	s13 =	sld [smem:$0x7FC];
	s7 =	simm.s32 @!p3 $0x0  }
0x116: {  	[smem:$0x7F8] =	sst s6;
	s7 =	simm.s32 @p3 $0x1;
	p3 =	sne.s32 s12, $0x0  }
0x117: {  	[smem:$0x7EE] =	sst s7;
	s7 =	simm.s32 @!p3 $0x0  }
0x118: {  	s7 =	simm.s32 @p3 $0x1;
	s15 =	sld [smem:$0x7EE]  }
0x119: {  	s16 =	sshll.u32 s16, $0x7;
	s11 =	sshra.s32 s24, $0x1F;
	[smem:$0x7EF] =	sst s7  }
0x11a: {  	p1 =	por @!p1 $0x0, $0x0;
	s9 =	sshrl.u32 s11, $0x1C;
	s19 =	sld [smem:$0x7EF]  }
0x11b: {  	s10 =	simm.s32 $0x1;
	s6 =	sadd.s32 s9, s24;
	s24 =	sld [smem:$0x7F8]  }
0x11c: {  	s11 =	simm.s32 $0x1;
	p6 =	seq.s32 s13, $0x1;
	p3 =	por $0x0, $0x0  }
0x11d: {  	p1 =	por @!p6 p3, p3;
	p3 =	seq.s32 s15, $0x1;
	p6 =	seq.s32 s19, $0x1  }
0x11e: {  	s6 =	sshra.s32 s6, $0x4;
	p3 =	por !p3, !p6;
	p6 =	seq.s32 s24, $0x1  }
0x11f: {  	p6 =	por @!p4 p1, p1;
	p1 =	por !p3, !p3;
	p3 =	sne.s32 s20, $0x47F  }
0x120: {  	s7 =	simm.s32 @!p6 $0x0;
	s10 =	simm.s32 @!p3 $0x0;
	s11 =	simm.s32 @!p1 $0x0  }
0x121: {  	p3 =	sne.s32 s20, $0x40F;
	s7 =	simm.s32 @p6 $0x1;
	s28 =	ssub.s32 s6, s11  }
0x122: {  	s11 =	simm.s32 $0x1;
	[smem:$0x7F8] =	sst s7;
	s7 =	ssub.s32 $0x47F, s20  }
0x123: {  	s9 =	simm.s32 $0x1;
	s11 =	simm.s32 @!p3 $0x0;
	s15 =	sshra.s32 s7, $0x1F  }
0x124: {  	s19 =	sand.u32 $0x7F, s7;
	s10 =	sor.u32 s10, s15;
	s12 =	sshrl.u32 s15, $0x19  }
0x125: {  	p6 =	sne.s32 s19, $0x0;
	p4 =	sne.s32 s10, $0x1;
	s24 =	sadd.s32 s12, s7  }
0x126: {  	s7 =	ssub.s32 $0x40F, s20;
	p1 =	por !p6, !p4;
	s6 =	sshra.s32 s24, $0x7  }
0x127: {  	s13 =	sshra.s32 s7, $0x1F;
	s19 =	sand.u32 $0xF, s7;
	p1 =	por !p1, !p1  }
0x128: {  	s15 =	sshrl.u32 s13, $0x1C;
	s11 =	sor.u32 s11, s13;
	p6 =	sne.s32 s19, $0x0  }
0x129: {  	s9 =	simm.s32 @!p1 $0x0;
	s10 =	sadd.s32 s15, s7;
	p4 =	sne.s32 s11, $0x1  }
0x12a: {  	s7 =	sadd.s32 $0xF, s21;
	s29 =	ssub.s32 s6, s9;
	s24 =	sshra.s32 s10, $0x4  }
0x12b: {  	p1 =	por !p6, !p4;
	s9 =	simm.s32 $0x1;
	s13 =	sshra.s32 s7, $0x1F  }
0x12c: {  	s15 =	sand.u32 $0xF, s7;
	p3 =	slt.s32 s7, $0x1;
	p1 =	por !p1, !p1  }
0x12d: {  	s19 =	sshrl.u32 s13, $0x1C;
	p4 =	sne.s32 s15, $0x0;
	s13 =	simm.s32 $0x1  }
0x12e: {  	s9 =	simm.s32 @!p1 $0x0;
	p1 =	por !p3, !p4;
	p3 =	sne.s32 s21, $0x147F  }
0x12f: {  	s10 =	ssub.s32 s24, s9;
	s24 =	sadd.s32 s19, s7;
	p1 =	por !p1, !p1  }
0x130: {  	s9 =	simm.s32 $0x1;
	s7 =	ssub.s32 $0x147F, s21;
	s13 =	simm.s32 @!p3 $0x0  }
0x131: {  	s19 =	ssub.s32 $0x140F, s21;
	p3 =	sne.s32 s21, $0x140F;
	s6 =	sshra.s32 s24, $0x4  }
0x132: {  	s9 =	simm.s32 @!p1 $0x0;
	s15 =	sshra.s32 s7, $0x1F;
	s24 =	sshra.s32 s19, $0x1F  }
0x133: {  	s11 =	ssub.s32 s6, s9;
	s9 =	sshrl.u32 s15, $0x19;
	s13 =	sor.u32 s13, s15  }
0x134: {  	s15 =	sand.u32 $0x7F, s7;
	s6 =	sadd.s32 s9, s7;
	p6 =	sne.s32 s13, $0x1  }
0x135: {  	s13 =	simm.s32 $0x1;
	p4 =	sne.s32 s15, $0x0;
	s7 =	sand.u32 $0xF, s19  }
0x136: {  	s9 =	sshrl.u32 s24, $0x1C;
	s13 =	simm.s32 @!p3 $0x0;
	s6 =	sshra.s32 s6, $0x7  }
0x137: {  	p1 =	por !p4, !p6;
	p4 =	sne.s32 s7, $0x0;
	s9 =	sadd.s32 s9, s19  }
0x138: {  	s19 =	simm.s32 $0x1;
	s7 =	sshll.u32 s14, $0x7;
	s13 =	sor.u32 s13, s24  }
0x139: {  	p1 =	por !p1, !p1;
	p6 =	sne.s32 s13, $0x1;
	s13 =	simm.s32 $0x1  }
0x13a: {  	s24 =	sshll.u32 s25, $0x9;
	s13 =	simm.s32 @!p1 $0x0;
	p4 =	por !p4, !p6  }
0x13b: {  	s16 =	sadd.s32 s16, s7;
	p1 =	por !p4, !p4;
	s12 =	ssub.s32 s6, s13  }
0x13c: {  	s6 =	sshra.s32 s24, $0x2;
	s24 =	sshll.u32 s26, $0x9;
	s19 =	simm.s32 @!p1 $0x0  }
0x13d: {  	s14 =	sadd.s32 $0x19DB0, s6;
	s6 =	sshra.s32 s24, $0x2;
	p1 =	slt.s32 s25, $0x1  }
0x13e: {  	s7 =	sshll.u32 s17, $0x7;
	s17 =	sadd.s32 $0x1A7B0, s6;
	s6 =	simm.s32 @!p1 $0x0  }
0x13f: {  	s6 =	simm.s32 @p1 $0x1;
	p1 =	slt.s32 s28, $0x1  }
0x140: {  	[smem:$0x7F0] =	sst s6;
	s6 =	simm.s32 @!p1 $0x0  }
0x141: {  	s6 =	simm.s32 @p1 $0x1;
	p1 =	slt.s32 s29, $0x1  }
0x142: {  	[smem:$0x7F1] =	sst s6;
	s6 =	simm.s32 @!p1 $0x0  }
0x143: {  	s6 =	simm.s32 @p1 $0x1;
	p1 =	slt.s32 s10, $0x1  }
0x144: {  	[smem:$0x7F2] =	sst s6;
	s6 =	simm.s32 @!p1 $0x0  }
0x145: {  	s6 =	simm.s32 @p1 $0x1;
	p1 =	slt.s32 s26, $0x1  }
0x146: {  	[smem:$0x7F3] =	sst s6;
	s6 =	simm.s32 @!p1 $0x0  }
0x147: {  	s6 =	simm.s32 @p1 $0x1;
	p1 =	slt.s32 s11, $0x1  }
0x148: {  	s13 =	sshra.s32 s9, $0x4;
	[smem:$0x7F4] =	sst s6;
	s6 =	simm.s32 @!p1 $0x0  }
0x149: {  	s24 =	sld [smem:$0x7F8];
	s6 =	simm.s32 @p1 $0x1;
	p1 =	slt.s32 s12, $0x1  }
0x14a: {  	s13 =	ssub.s32 s13, s19;
	[smem:$0x7F5] =	sst s6;
	s6 =	simm.s32 @!p1 $0x0  }
0x14b: {  	s6 =	simm.s32 @p1 $0x1;
	p1 =	slt.s32 s13, $0x1  }
0x14c: {  	p6 =	seq.s32 s24, $0x1;
	[smem:$0x7F6] =	sst s6;
	s6 =	simm.s32 @!p1 $0x0  }
0x14d: {  	s6 =	simm.s32 @p1 $0x1;
	p1 =	por !p6, !p6  }
0x14e: {  	s18 =	sshll.u32 s18, $0x7;
	[smem:$0x7F7] =	sst s6;
	s6 =	simm.s32 @!p1 $0x0  }
0x14f: {  	v5 =	vmov s20;
	s15 =	ssub.s32 $0x400, s20;
	s9 =	ssub.s32 $0x1400, s21;
	s6 =	simm.s32 @p1 $0x1  }
0x150: {  	v7 =	vmov s21;
	v6 =	vmov s15;
	s18 =	sadd.s32 s18, s7;
	v8 =	vmov s9;
	s19 =	simm.s32 $0x0;
	[smem:$0x7F9] =	sst s6  }
.LBB2_21:
0x151: {  	s20 =	sadd.s32 s8, s19  }
0x152: {  	s6 =	sshrl.u32 @!p5 s20, $0x3  }
0x153: {  	s9 =	sshll.u32 @!p5 s19, $0x7;
	s6 =	smul.u32 @!p5 $0x7A1400, s6  }
0x154: {  	s9 =	sand.u32 @!p5 $0x380, s9  }
0x155: {  	[bflag:$0x0] =	sbarrier.arrive @p0 $0xFFFF;
	s15 =	simm.s32 @!p5 $0x1;
	s6 =	sor.u32 @!p5 s9, s6  }
0x156: {  	s21 =	simm.s32 @!p5 $0x10;
	s24 =	simm.s32 @!p5 $0x80;
	s6 =	sshrl.u32 @!p5 s6, $0x3  }
0x157: {  	s7 =	simm.s32 @!p5 $0x1C83;
	s9 =	sshrl.u32 @!p5 s5, $0x3;
	s6 =	sadd.s32 @!p5 s1, s6  }
0x158: {  	[spmem:s9@s21], [sflag:s7] =	dma.strided @!p5 [hbm:s6@s24], $0x12310, s15, $0x10   }
0x159: {  	s6 =	simm.s32 @!p0 $0x1  }
0x15a: {  	_ =	swait.ge @!p0 [sflag:s6], $0x12310  }
0x15b: {  	[sflag:s6] =	ssyncset.done @!p0 $0x0  }
0x15c: {  	[sflag:s6] =	ssyncadd.s32 @!p0 $0xFFFEDCF0  }
0x15d: {  	[bflag:$0x0] =	sbarrier.arrive @!p0 $0xFFFF  }
0x15e: {  	s24 =	sld [smem:$0x7F0];
	_ =	sdelay $0x2  }
0x15f: {  	p1 =	seq.s32 s24, $0x1  }
.Ltmp11:
0x160: {  	_ = 	snop;
	(pc) =	sbr.rel @p1 .LBB2_27-.Ltmp11, $1  }
0x161: {  	_ =	sdelay $0x3  }
0x162: {  	p1 =	sne.s32 s25, $0x1  }
.Ltmp12:
0x163: {  	_ = 	snop;
	(pc) =	sbr.rel @!p1 .LBB2_24-.Ltmp12, $3  }
0x164: {  	_ =	sdelay $0x1  }
0x165: {  	s6 =	simm.s32 $0x189B0;
	s9 =	simm.s32 $0x19DB0;
	s15 =	sadd.s32 $0xFFFFFFFF, s25  }
0x166: {  	[tilespmem:s6], [sflag:$0x5] =	stream.indirect.gather [spmem:s3], $0x1, s9, s30, $0xb8;
	[tilespmem:$0x1FEB0] =	vst v63  }
.LBB2_23:
0x167: {  	p3 =	sne.s32 s15, $0x1  }
.Ltmp13:
0x168: {  	_ = 	snop;
	(pc) =	sbr.rel @p3 .LBB2_23-.Ltmp13, $4  }
0x169: {  	_ = 	snop  }
0x16a: {  	s6 =	sadd.s32 $0x80, s6;
	s9 =	sadd.s32 $0x80, s9  }
0x16b: {  	s15 =	sadd.s32 $0xFFFFFFFF, s15  }
0x16c: {  	[tilespmem:s6], [sflag:$0x5] =	stream.indirect.gather [spmem:s3], $0x1, s9, s30, $0xb8;
	[tilespmem:$0x1FEB0] =	vst v63  }
.LBB2_24:
.Ltmp14:
0x16d: {  	(pc) =	sbr.rel @!p1 .LBB2_26-.Ltmp14, $3  }
0x16e: {  	_ =	sdelay $0x1  }
0x16f: {  	_ =	swait.ge [sflag:s31], $0x80  }
0x170: {  	s6 =	sadd.s32 $0xFFFFFFFF, s25;
	[sflag:s31] =	ssyncset.done $0x0  }
.LBB2_25:
0x171: {  	p1 =	sne.s32 s6, $0x1;
	s6 =	sadd.s32 $0xFFFFFFFF, s6;
	[sflag:s31] =	ssyncadd.s32 $0xFFFFFF80  }
.Ltmp15:
0x172: {  	(pc) =	sbr.rel @p1 .LBB2_25-.Ltmp15, $3  }
0x173: {  	_ =	sdelay $0x1  }
0x174: {  	_ =	swait.ge [sflag:s31], $0x80  }
0x175: {  	[sflag:s31] =	ssyncset.done $0x0  }
.LBB2_26:
0x176: {  	[sflag:s31] =	ssyncadd.s32 $0xFFFFFF80  }
.LBB2_27:
0x177: {  	s6 =	sld [smem:$0x7F1];
	_ =	sdelay $0x2  }
0x178: {  	p1 =	seq.s32 s6, $0x1  }
.Ltmp16:
0x179: {  	_ = 	snop;
	(pc) =	sbr.rel @p1 .LBB2_34-.Ltmp16, $1  }
0x17a: {  	_ =	sdelay $0x3  }
0x17b: {  	p1 =	sne.s32 s28, $0x1  }
.Ltmp17:
0x17c: {  	_ = 	snop;
	(pc) =	sbr.rel @!p1 .LBB2_29-.Ltmp17, $3  }
0x17d: {  	_ =	sdelay $0x1  }
0x17e: {  	s9 =	simm.s32 $0x189B0;
	s6 =	simm.s32 $0x1A2B0  }
0x17f: {  	s21 =	simm.s32 $0x0;
	s15 =	sadd.s32 $0xFFFFFFFF, s28;
	p3 =	por $0x0, $0x0;
	v9 =	vld [tilespmem:s6+$0x0]  }
0x180: {  	_ = 	snop  }
0x181: {  	v10 =	vor.u32 s21, v3  }
0x182: {  	vm0 =	vlt.s32 v10, v5  }
0x183: {  	v10 =	vld [tilespmem:s9+$0x0]  }
0x184: {  	p1 =	sne.s32 s15, $0x1  }
.Ltmp18:
0x185: {  	_ = 	snop;
	(pc) =	sbr.rel @!p1 .LBB2_31-.Ltmp18, $3  }
0x186: {  	_ =	sdelay $0x1  }
0x187: {  	s6 =	simm.s32 $0x1A2C0;
	s24 =	sadd.s32 $0xFFFFFFFF, s15;
	[tilespmem:v9+s2+$0x0] =	vst.idx.msk vm0, v10  }
0x188: {  	s21 =	simm.s32 $0x10;
	p3 =	por $0x1, $0x1;
	s15 =	simm.s32 $0x189B0;
	v9 =	vld [tilespmem:s6+$0x0]  }
.LBB2_32:
0x189: {  	p1 =	sne.s32 s24, $0x1;
	v10 =	vor.u32 s21, v3  }
0x18a: {  	s15 =	sadd.s32 $0x10, s15;
	vm0 =	vlt.s32 v10, v5  }
0x18b: {  	v10 =	vld [tilespmem:s15+$0x0];
	_ =	sdelay $0x1  }
.Ltmp19:
0x18c: {  	(pc) =	sbr.rel @p1 .LBB2_32-.Ltmp19, $3  }
0x18d: {  	_ =	sdelay $0x1  }
0x18e: {  	s6 =	sadd.s32 $0x10, s6;
	[tilespmem:v9+s2+$0x0] =	vst.idx.msk vm0, v10  }
0x18f: {  	s24 =	sadd.s32 $0xFFFFFFFF, s24;
	s21 =	sadd.s32 $0x10, s21;
	v9 =	vld [tilespmem:s6+$0x0]  }
.LBB2_33:
0x190: {  	_ = 	snop  }
0x191: {  	v10 =	vor.u32 s21, v3;
	s6 =	sadd.s32 @p3 $0x10, s15  }
0x192: {  	vm0 =	vlt.s32 v10, v5;
	s9 =	smov.u32 @p3 s6  }
0x193: {  	v10 =	vld [tilespmem:s9+$0x0];
	_ =	sdelay $0x4  }
0x194: {  	[tilespmem:v9+s2+$0x0] =	vst.idx.msk vm0, v10  }
.LBB2_34:
0x195: {  	s6 =	sld [smem:$0x7F8];
	_ =	sdelay $0x2  }
0x196: {  	p1 =	seq.s32 s6, $0x1  }
0x197: {  	s6 =	simm.s32 @p1 $0x2  }
0x198: {  	_ =	swait.ge @p1 [sflag:s6], $0xC540  }
0x199: {  	[sflag:s6] =	ssyncset.done @p1 $0x0  }
0x19a: {  	[sflag:s6] =	ssyncadd.s32 @p1 $0xFFFF3AC0  }
0x19b: {  	[bflag:$0x0] =	sbarrier.arrive $0xFFFF  }
0x19c: {  	s7 =	sld [smem:$0x7F2];
	_ =	sdelay $0x2  }
0x19d: {  	p1 =	seq.s32 s7, $0x1  }
.Ltmp20:
0x19e: {  	_ = 	snop;
	(pc) =	sbr.rel @p1 .LBB2_40-.Ltmp20, $2  }
0x19f: {  	_ =	sdelay $0x2  }
0x1a0: {  	s6 =	simm.s32 $0x189B0  }
0x1a1: {  	p1 =	sne.s32 s29, $0x1  }
.Ltmp21:
0x1a2: {  	_ = 	snop;
	(pc) =	sbr.rel @!p1 .LBB2_37-.Ltmp21, $3  }
0x1a3: {  	_ =	sdelay $0x1  }
0x1a4: {  	[tilespmem:s6], [sflag:$0x5] =	stream.indirect.gather [spmem:s4], $0x1, s14, s30, $0xb8;
	[tilespmem:$0x1FEB0] =	vst v63  }
0x1a5: {  	s9 =	sadd.s32 $0xFFFFFFFF, s29;
	s15 =	smov.u32 s14  }
.LBB2_36:
0x1a6: {  	p1 =	sne.s32 s9, $0x1  }
.Ltmp22:
0x1a7: {  	_ = 	snop;
	(pc) =	sbr.rel @p1 .LBB2_36-.Ltmp22, $4  }
0x1a8: {  	_ = 	snop  }
0x1a9: {  	s6 =	sadd.s32 $0x80, s6;
	s15 =	sadd.s32 $0x80, s15  }
0x1aa: {  	s9 =	sadd.s32 $0xFFFFFFFF, s9  }
0x1ab: {  	[tilespmem:s6], [sflag:$0x5] =	stream.indirect.gather [spmem:s4], $0x1, s15, s30, $0xb8;
	[tilespmem:$0x1FEB0] =	vst v63  }
.LBB2_37:
0x1ac: {  	p1 =	sne.s32 s29, $0x1  }
.Ltmp23:
0x1ad: {  	_ = 	snop;
	(pc) =	sbr.rel @!p1 .LBB2_39-.Ltmp23, $3  }
0x1ae: {  	_ =	sdelay $0x1  }
0x1af: {  	_ =	swait.ge [sflag:s31], $0x80  }
0x1b0: {  	s6 =	sadd.s32 $0xFFFFFFFF, s29;
	[sflag:s31] =	ssyncset.done $0x0  }
.LBB2_38:
0x1b1: {  	p1 =	sne.s32 s6, $0x1;
	s6 =	sadd.s32 $0xFFFFFFFF, s6;
	[sflag:s31] =	ssyncadd.s32 $0xFFFFFF80  }
.Ltmp24:
0x1b2: {  	(pc) =	sbr.rel @p1 .LBB2_38-.Ltmp24, $3  }
0x1b3: {  	_ =	sdelay $0x1  }
0x1b4: {  	_ =	swait.ge [sflag:s31], $0x80  }
0x1b5: {  	[sflag:s31] =	ssyncset.done $0x0  }
.LBB2_39:
0x1b6: {  	[sflag:s31] =	ssyncadd.s32 $0xFFFFFF80  }
.LBB2_40:
0x1b7: {  	s6 =	sld [smem:$0x7F3];
	_ =	sdelay $0x2  }
0x1b8: {  	p1 =	seq.s32 s6, $0x1  }
.Ltmp25:
0x1b9: {  	_ = 	snop;
	(pc) =	sbr.rel @p1 .LBB2_47-.Ltmp25, $1  }
0x1ba: {  	_ =	sdelay $0x3  }
0x1bb: {  	p1 =	sne.s32 s10, $0x1  }
.Ltmp26:
0x1bc: {  	_ = 	snop;
	(pc) =	sbr.rel @!p1 .LBB2_42-.Ltmp26, $3  }
0x1bd: {  	_ =	sdelay $0x1  }
0x1be: {  	s9 =	simm.s32 $0x0;
	s21 =	simm.s32 $0x189B0  }
0x1bf: {  	s6 =	sadd.s32 $0x0, s16;
	s15 =	sadd.s32 $0xFFFFFFFF, s10;
	p3 =	por $0x0, $0x0  }
0x1c0: {  	s6 =	sand.u32 $0xFFFFFF80, s6;
	s7 =	sand.u32 $0x70, s9  }
0x1c1: {  	s6 =	sor.u32 s7, s6  }
0x1c2: {  	v9 =	vld [tilespmem:s6+$0x1A2B0]  }
0x1c3: {  	v10 =	vor.u32 s9, v3;
	p1 =	sne.s32 s15, $0x1  }
.Ltmp27:
0x1c4: {  	vm0 =	vlt.s32 v10, v6;
	(pc) =	sbr.rel @!p1 .LBB2_44-.Ltmp27, $3  }
0x1c5: {  	v10 =	vld [tilespmem:s21+$0x0];
	_ =	sdelay $0x1  }
0x1c6: {  	s9 =	simm.s32 $0x10;
	s24 =	sadd.s32 $0xFFFFFFFF, s15  }
0x1c7: {  	p3 =	por $0x1, $0x1;
	s15 =	simm.s32 $0x189B0;
	s6 =	sadd.s32 $0x10, s16  }
.LBB2_45:
0x1c8: {  	p1 =	sne.s32 s24, $0x1;
	s6 =	sand.u32 $0xFFFFFF80, s6;
	s7 =	sand.u32 $0x70, s9  }
0x1c9: {  	s6 =	sor.u32 s7, s6;
	[tilespmem:v9+s2+$0x0] =	vst.idx.msk vm0, v10  }
0x1ca: {  	v9 =	vld [tilespmem:s6+$0x1A2B0]  }
0x1cb: {  	v10 =	vor.u32 s9, v3  }
.Ltmp28:
0x1cc: {  	s15 =	sadd.s32 $0x10, s15;
	vm0 =	vlt.s32 v10, v6;
	(pc) =	sbr.rel @p1 .LBB2_45-.Ltmp28, $3  }
0x1cd: {  	v10 =	vld [tilespmem:s15+$0x0];
	_ =	sdelay $0x1  }
0x1ce: {  	s9 =	sadd.s32 $0x10, s9  }
0x1cf: {  	s24 =	sadd.s32 $0xFFFFFFFF, s24;
	s6 =	sadd.s32 s9, s16  }
.LBB2_46:
0x1d0: {  	_ =	sdelay $0x3  }
0x1d1: {  	s6 =	sand.u32 $0xFFFFFF80, s6;
	s7 =	sand.u32 $0x70, s9  }
0x1d2: {  	s6 =	sor.u32 s7, s6;
	[tilespmem:v9+s2+$0x0] =	vst.idx.msk @p3 vm0, v10  }
0x1d3: {  	v9 =	vld [tilespmem:s6+$0x1A2B0]  }
0x1d4: {  	v10 =	vor.u32 s9, v3;
	s6 =	sadd.s32 @p3 $0x10, s15  }
0x1d5: {  	vm15 =	vlt.s32 v10, v6;
	s21 =	smov.u32 @p3 s6  }
0x1d6: {  	v10 =	vld [tilespmem:s21+$0x0];
	_ =	sdelay $0x4  }
0x1d7: {  	[tilespmem:v9+s2+$0x0] =	vst.idx.msk vm15, v10  }
.LBB2_47:
0x1d8: {  	s6 =	sshrl.u32 @!p2 s20, $0x3  }
0x1d9: {  	s7 =	sshll.u32 @!p2 s19, $0x7;
	s6 =	smul.u32 @!p2 $0x7A1400, s6  }
0x1da: {  	s7 =	sand.u32 @!p2 $0x380, s7  }
0x1db: {  	s6 =	sor.u32 @!p2 s7, s6  }
0x1dc: {  	[bflag:$0x0] =	sbarrier.arrive $0xFFFF;
	s9 =	simm.s32 @!p2 $0x1;
	s6 =	sshrl.u32 @!p2 s6, $0x3  }
0x1dd: {  	s15 =	simm.s32 @!p2 $0x10;
	s21 =	simm.s32 @!p2 $0x80;
	s6 =	sadd.s32 @!p2 s1, s6  }
0x1de: {  	s24 =	simm.s32 @!p2 $0x1CC4;
	s7 =	sshrl.u32 @!p2 s4, $0x3;
	s6 =	sadd.s32 @!p2 $0x91880, s6  }
0x1df: {  	[spmem:s7@s15], [sflag:s24] =	dma.strided @!p2 [hbm:s6@s21], $0xC540, s9, $0x10   }
0x1e0: {  	s6 =	sld [smem:$0x7FD];
	_ =	sdelay $0x1  }
0x1e1: {  	p1 =	por @p0 $0x0, $0x0  }
0x1e2: {  	p3 =	por @!p5 $0x1, $0x1;
	p6 =	seq.s32 @!p0 s19, $0x1F;
	p4 =	seq.s32 s6, $0x1  }
0x1e3: {  	p3 =	por @!p4 p1, p1;
	p1 =	por p6, p0  }
0x1e4: {  	p4 =	por @!p0 $0x0, $0x0;
	s6 =	sadd.s32 @!p1 $0x1, s20  }
0x1e5: {  	p3 =	por @!p0 p4, p4;
	s15 =	simm.s32 @!p1 $0x10;
	s9 =	sshrl.u32 @!p1 s6, $0x3  }
0x1e6: {  	s7 =	simm.s32 @p3 $0x3;
	s6 =	sshll.u32 @!p1 s6, $0x7;
	s9 =	smul.u32 @!p1 $0x7A1400, s9  }
0x1e7: {  	s21 =	simm.s32 @!p1 $0x80;
	_ =	swait.ge @p3 [sflag:s7], $0x12310;
	s6 =	sand.u32 @!p1 $0x380, s6  }
0x1e8: {  	s24 =	simm.s32 @!p1 $0x1C01;
	[sflag:s7] =	ssyncset.done @p3 $0x0;
	s6 =	sor.u32 @!p1 s6, s9  }
0x1e9: {  	[sflag:s7] =	ssyncadd.s32 @p3 $0xFFFEDCF0;
	s7 =	sshrl.u32 @!p1 s3, $0x3;
	s6 =	sshrl.u32 @!p1 s6, $0x3  }
0x1ea: {  	s9 =	simm.s32 @!p1 $0x1;
	[bflag:$0x0] =	sbarrier.arrive $0xFFFF;
	s6 =	sadd.s32 @!p1 s0, s6  }
0x1eb: {  	[spmem:s7@s15], [sflag:s24] =	dma.strided @!p1 [hbm:s6@s21], $0x12310, s9, $0x10   }
0x1ec: {  	s6 =	sld [smem:$0x7F4];
	_ =	sdelay $0x2  }
0x1ed: {  	p1 =	seq.s32 s6, $0x1  }
.Ltmp29:
0x1ee: {  	_ = 	snop;
	(pc) =	sbr.rel @p1 .LBB2_53-.Ltmp29, $1  }
0x1ef: {  	_ =	sdelay $0x3  }
0x1f0: {  	p1 =	sne.s32 s26, $0x1  }
.Ltmp30:
0x1f1: {  	_ = 	snop;
	(pc) =	sbr.rel @!p1 .LBB2_50-.Ltmp30, $3  }
0x1f2: {  	_ =	sdelay $0x1  }
0x1f3: {  	s6 =	simm.s32 $0x189B0;
	s9 =	simm.s32 $0x1A7B0;
	s15 =	sadd.s32 $0xFFFFFFFF, s26  }
0x1f4: {  	[tilespmem:s6], [sflag:$0x5] =	stream.indirect.gather [spmem:s5], $0x1, s9, s30, $0xb8;
	[tilespmem:$0x1FEB0] =	vst v63  }
.LBB2_49:
0x1f5: {  	p3 =	sne.s32 s15, $0x1  }
.Ltmp31:
0x1f6: {  	_ = 	snop;
	(pc) =	sbr.rel @p3 .LBB2_49-.Ltmp31, $4  }
0x1f7: {  	_ = 	snop  }
0x1f8: {  	s6 =	sadd.s32 $0x80, s6;
	s9 =	sadd.s32 $0x80, s9  }
0x1f9: {  	s15 =	sadd.s32 $0xFFFFFFFF, s15  }
0x1fa: {  	[tilespmem:s6], [sflag:$0x5] =	stream.indirect.gather [spmem:s5], $0x1, s9, s30, $0xb8;
	[tilespmem:$0x1FEB0] =	vst v63  }
.LBB2_50:
.Ltmp32:
0x1fb: {  	(pc) =	sbr.rel @!p1 .LBB2_52-.Ltmp32, $3  }
0x1fc: {  	_ =	sdelay $0x1  }
0x1fd: {  	_ =	swait.ge [sflag:s31], $0x80  }
0x1fe: {  	s6 =	sadd.s32 $0xFFFFFFFF, s26;
	[sflag:s31] =	ssyncset.done $0x0  }
.LBB2_51:
0x1ff: {  	p1 =	sne.s32 s6, $0x1;
	s6 =	sadd.s32 $0xFFFFFFFF, s6;
	[sflag:s31] =	ssyncadd.s32 $0xFFFFFF80  }
.Ltmp33:
0x200: {  	(pc) =	sbr.rel @p1 .LBB2_51-.Ltmp33, $3  }
0x201: {  	_ =	sdelay $0x1  }
0x202: {  	_ =	swait.ge [sflag:s31], $0x80  }
0x203: {  	[sflag:s31] =	ssyncset.done $0x0  }
.LBB2_52:
0x204: {  	[sflag:s31] =	ssyncadd.s32 $0xFFFFFF80  }
.LBB2_53:
0x205: {  	s6 =	sld [smem:$0x7F5];
	_ =	sdelay $0x2  }
0x206: {  	p1 =	seq.s32 s6, $0x1  }
.Ltmp34:
0x207: {  	_ = 	snop;
	(pc) =	sbr.rel @p1 .LBB2_60-.Ltmp34, $1  }
0x208: {  	_ =	sdelay $0x3  }
0x209: {  	p1 =	sne.s32 s11, $0x1  }
.Ltmp35:
0x20a: {  	_ = 	snop;
	(pc) =	sbr.rel @!p1 .LBB2_55-.Ltmp35, $3  }
0x20b: {  	_ =	sdelay $0x1  }
0x20c: {  	s9 =	simm.s32 $0x189B0;
	s6 =	simm.s32 $0x1BCB0  }
0x20d: {  	s21 =	simm.s32 $0x0;
	s15 =	sadd.s32 $0xFFFFFFFF, s11;
	p3 =	por $0x0, $0x0;
	v9 =	vld [tilespmem:s6+$0x0]  }
0x20e: {  	_ = 	snop  }
0x20f: {  	v10 =	vor.u32 s21, v3  }
0x210: {  	vm0 =	vlt.s32 v10, v7  }
0x211: {  	v10 =	vld [tilespmem:s9+$0x0]  }
0x212: {  	p1 =	sne.s32 s15, $0x1  }
.Ltmp36:
0x213: {  	_ = 	snop;
	(pc) =	sbr.rel @!p1 .LBB2_57-.Ltmp36, $3  }
0x214: {  	_ =	sdelay $0x1  }
0x215: {  	s6 =	simm.s32 $0x1BCC0;
	s24 =	sadd.s32 $0xFFFFFFFF, s15;
	[tilespmem:v9+s22+$0x0] =	vst.idx.msk vm0, v10  }
0x216: {  	s21 =	simm.s32 $0x10;
	p3 =	por $0x1, $0x1;
	s15 =	simm.s32 $0x189B0;
	v9 =	vld [tilespmem:s6+$0x0]  }
.LBB2_58:
0x217: {  	p1 =	sne.s32 s24, $0x1;
	v10 =	vor.u32 s21, v3  }
0x218: {  	s15 =	sadd.s32 $0x10, s15;
	vm0 =	vlt.s32 v10, v7  }
0x219: {  	v10 =	vld [tilespmem:s15+$0x0];
	_ =	sdelay $0x1  }
.Ltmp37:
0x21a: {  	(pc) =	sbr.rel @p1 .LBB2_58-.Ltmp37, $3  }
0x21b: {  	_ =	sdelay $0x1  }
0x21c: {  	s6 =	sadd.s32 $0x10, s6;
	[tilespmem:v9+s22+$0x0] =	vst.idx.msk vm0, v10  }
0x21d: {  	s24 =	sadd.s32 $0xFFFFFFFF, s24;
	s21 =	sadd.s32 $0x10, s21;
	v9 =	vld [tilespmem:s6+$0x0]  }
.LBB2_59:
0x21e: {  	_ = 	snop  }
0x21f: {  	v10 =	vor.u32 s21, v3;
	s6 =	sadd.s32 @p3 $0x10, s15  }
0x220: {  	vm0 =	vlt.s32 v10, v7;
	s9 =	smov.u32 @p3 s6  }
0x221: {  	v10 =	vld [tilespmem:s9+$0x0];
	_ =	sdelay $0x4  }
0x222: {  	[tilespmem:v9+s22+$0x0] =	vst.idx.msk vm0, v10  }
.LBB2_60:
0x223: {  	s6 =	simm.s32 @!p2 $0x4  }
0x224: {  	_ =	swait.ge @!p2 [sflag:s6], $0xC540  }
0x225: {  	[sflag:s6] =	ssyncset.done @!p2 $0x0  }
0x226: {  	[sflag:s6] =	ssyncadd.s32 @!p2 $0xFFFF3AC0  }
0x227: {  	[bflag:$0x0] =	sbarrier.arrive $0xFFFF  }
0x228: {  	s7 =	sld [smem:$0x7F6];
	_ =	sdelay $0x2  }
0x229: {  	p1 =	seq.s32 s7, $0x1  }
.Ltmp38:
0x22a: {  	_ = 	snop;
	(pc) =	sbr.rel @p1 .LBB2_66-.Ltmp38, $2  }
0x22b: {  	_ =	sdelay $0x2  }
0x22c: {  	s6 =	simm.s32 $0x189B0  }
0x22d: {  	p1 =	sne.s32 s12, $0x1  }
.Ltmp39:
0x22e: {  	_ = 	snop;
	(pc) =	sbr.rel @!p1 .LBB2_63-.Ltmp39, $3  }
0x22f: {  	_ =	sdelay $0x1  }
0x230: {  	[tilespmem:s6], [sflag:$0x5] =	stream.indirect.gather [spmem:s4], $0x1, s17, s30, $0xb8;
	[tilespmem:$0x1FEB0] =	vst v63  }
0x231: {  	s9 =	sadd.s32 $0xFFFFFFFF, s12;
	s15 =	smov.u32 s17  }
.LBB2_62:
0x232: {  	p1 =	sne.s32 s9, $0x1  }
.Ltmp40:
0x233: {  	_ = 	snop;
	(pc) =	sbr.rel @p1 .LBB2_62-.Ltmp40, $4  }
0x234: {  	_ = 	snop  }
0x235: {  	s6 =	sadd.s32 $0x80, s6;
	s15 =	sadd.s32 $0x80, s15  }
0x236: {  	s9 =	sadd.s32 $0xFFFFFFFF, s9  }
0x237: {  	[tilespmem:s6], [sflag:$0x5] =	stream.indirect.gather [spmem:s4], $0x1, s15, s30, $0xb8;
	[tilespmem:$0x1FEB0] =	vst v63  }
.LBB2_63:
0x238: {  	p1 =	sne.s32 s12, $0x1  }
.Ltmp41:
0x239: {  	_ = 	snop;
	(pc) =	sbr.rel @!p1 .LBB2_65-.Ltmp41, $3  }
0x23a: {  	_ =	sdelay $0x1  }
0x23b: {  	_ =	swait.ge [sflag:s31], $0x80  }
0x23c: {  	s6 =	sadd.s32 $0xFFFFFFFF, s12;
	[sflag:s31] =	ssyncset.done $0x0  }
.LBB2_64:
0x23d: {  	p1 =	sne.s32 s6, $0x1;
	s6 =	sadd.s32 $0xFFFFFFFF, s6;
	[sflag:s31] =	ssyncadd.s32 $0xFFFFFF80  }
.Ltmp42:
0x23e: {  	(pc) =	sbr.rel @p1 .LBB2_64-.Ltmp42, $3  }
0x23f: {  	_ =	sdelay $0x1  }
0x240: {  	_ =	swait.ge [sflag:s31], $0x80  }
0x241: {  	[sflag:s31] =	ssyncset.done $0x0  }
.LBB2_65:
0x242: {  	[sflag:s31] =	ssyncadd.s32 $0xFFFFFF80  }
.LBB2_66:
0x243: {  	s6 =	sld [smem:$0x7F7];
	_ =	sdelay $0x2  }
0x244: {  	p1 =	seq.s32 s6, $0x1  }
.Ltmp43:
0x245: {  	_ = 	snop;
	(pc) =	sbr.rel @p1 .LBB2_73-.Ltmp43, $1  }
0x246: {  	_ =	sdelay $0x3  }
0x247: {  	p1 =	sne.s32 s13, $0x1  }
.Ltmp44:
0x248: {  	_ = 	snop;
	(pc) =	sbr.rel @!p1 .LBB2_68-.Ltmp44, $3  }
0x249: {  	_ =	sdelay $0x1  }
0x24a: {  	s9 =	simm.s32 $0x0;
	s21 =	simm.s32 $0x189B0  }
0x24b: {  	s6 =	sadd.s32 $0x0, s18;
	s15 =	sadd.s32 $0xFFFFFFFF, s13;
	p3 =	por $0x0, $0x0  }
0x24c: {  	s6 =	sand.u32 $0xFFFFFF80, s6;
	s7 =	sand.u32 $0x70, s9  }
0x24d: {  	s6 =	sor.u32 s7, s6  }
0x24e: {  	v9 =	vld [tilespmem:s6+$0x1BCB0]  }
0x24f: {  	v10 =	vor.u32 s9, v3;
	p1 =	sne.s32 s15, $0x1  }
.Ltmp45:
0x250: {  	vm0 =	vlt.s32 v10, v8;
	(pc) =	sbr.rel @!p1 .LBB2_70-.Ltmp45, $3  }
0x251: {  	v10 =	vld [tilespmem:s21+$0x0];
	_ =	sdelay $0x1  }
0x252: {  	s9 =	simm.s32 $0x10;
	s24 =	sadd.s32 $0xFFFFFFFF, s15  }
0x253: {  	p3 =	por $0x1, $0x1;
	s15 =	simm.s32 $0x189B0;
	s6 =	sadd.s32 $0x10, s18  }
.LBB2_71:
0x254: {  	p1 =	sne.s32 s24, $0x1;
	s6 =	sand.u32 $0xFFFFFF80, s6;
	s7 =	sand.u32 $0x70, s9  }
0x255: {  	s6 =	sor.u32 s7, s6;
	[tilespmem:v9+s22+$0x0] =	vst.idx.msk vm0, v10  }
0x256: {  	v9 =	vld [tilespmem:s6+$0x1BCB0]  }
0x257: {  	v10 =	vor.u32 s9, v3  }
.Ltmp46:
0x258: {  	s15 =	sadd.s32 $0x10, s15;
	vm0 =	vlt.s32 v10, v8;
	(pc) =	sbr.rel @p1 .LBB2_71-.Ltmp46, $3  }
0x259: {  	v10 =	vld [tilespmem:s15+$0x0];
	_ =	sdelay $0x1  }
0x25a: {  	s9 =	sadd.s32 $0x10, s9  }
0x25b: {  	s24 =	sadd.s32 $0xFFFFFFFF, s24;
	s6 =	sadd.s32 s9, s18  }
.LBB2_72:
0x25c: {  	_ =	sdelay $0x3  }
0x25d: {  	s6 =	sand.u32 $0xFFFFFF80, s6;
	s7 =	sand.u32 $0x70, s9  }
0x25e: {  	s6 =	sor.u32 s7, s6;
	[tilespmem:v9+s22+$0x0] =	vst.idx.msk @p3 vm0, v10  }
0x25f: {  	v9 =	vld [tilespmem:s6+$0x1BCB0]  }
0x260: {  	v10 =	vor.u32 s9, v3;
	s6 =	sadd.s32 @p3 $0x10, s15  }
0x261: {  	vm15 =	vlt.s32 v10, v8;
	s21 =	smov.u32 @p3 s6  }
0x262: {  	v10 =	vld [tilespmem:s21+$0x0];
	_ =	sdelay $0x4  }
0x263: {  	[tilespmem:v9+s22+$0x0] =	vst.idx.msk vm15, v10  }
.LBB2_73:
0x264: {  	s6 =	sld [smem:$0x7F9];
	_ =	sdelay $0x2  }
0x265: {  	p1 =	seq.s32 s19, $0x1F;
	p3 =	seq.s32 s6, $0x1  }
0x266: {  	p1 =	por p3, p1  }
0x267: {  	s6 =	sadd.s32 @!p1 $0x1, s20  }
0x268: {  	s7 =	sshrl.u32 @!p1 s6, $0x3  }
0x269: {  	s6 =	sshll.u32 @!p1 s6, $0x7;
	s7 =	smul.u32 @!p1 $0x7A1400, s7  }
0x26a: {  	s6 =	sand.u32 @!p1 $0x380, s6  }
0x26b: {  	[bflag:$0x0] =	sbarrier.arrive $0xFFFF;
	s9 =	sshrl.u32 @!p1 s4, $0x3;
	s6 =	sor.u32 @!p1 s6, s7  }
0x26c: {  	s15 =	simm.s32 @!p1 $0x1;
	s7 =	stileid.u32;
	s6 =	sshrl.u32 @!p1 s6, $0x3  }
0x26d: {  	s20 =	simm.s32 @!p1 $0x10;
	s7 =	sshll.u32 @!p1 s7, $0x6;
	s6 =	sadd.s32 @!p1 s0, s6  }
0x26e: {  	s21 =	simm.s32 @!p1 $0x80;
	s7 =	sor.u32 @!p1 $0x1C02, s7;
	s6 =	sadd.s32 @!p1 $0x91880, s6  }
0x26f: {  	[spmem:s9@s20], [sflag:s7] =	dma.strided @!p1 [hbm:s6@s21], $0xC540, s15, $0x10   }
0x270: {  	s20 =	simm.s32 $0x0  }
0x271: {  	v9 =	vld [tilespmem:s20+$0x1D1B0]  }
0x272: {  	v10 =	vld [tilespmem:s20+$0x1E630]  }
0x273: {  	v11 =	vld [tilespmem:s20+$0x1D630]  }
0x274: {  	v12 =	vld [tilespmem:s20+$0x1DA30];
	_ =	sdelay $0x1  }
0x275: {  	v13 =	vld [tilespmem:s20+$0x1DE30]  }
0x276: {  	v14 =	vld [tilespmem:s20+$0x1E230];
	v10 =	vmul.f32 v10, v9  }
0x277: {  	v11 =	vmul.f32 v11, v9  }
0x278: {  	v12 =	vmul.f32 v12, v9;
	[tilespmem:s20+$0x1FAB0] =	vst.add.f32.msk $0xffff, v10  }
0x279: {  	[tilespmem:s20+$0x1EAB0] =	vst.add.f32.msk $0xffff, v11  }
0x27a: {  	s9 =	simm.s32 $0x10;
	[tilespmem:s20+$0x1EEB0] =	vst.add.f32.msk $0xffff, v12  }
0x27b: {  	s19 =	sadd.s32 $0x1, s19;
	s15 =	simm.s32 $0x80;
	v10 =	vmul.f32 v13, v9;
	v11 =	vmul.f32 v14, v9;
	v9 =	vld [tilespmem:s9+$0x1D1B0]  }
.LBB2_74:
0x27c: {  	p3 =	seq.s32 s15, $0xFC0;
	v12 =	vld [tilespmem:s9+$0x1E630]  }
0x27d: {  	v13 =	vld [tilespmem:s9+$0x1D630]  }
0x27e: {  	v14 =	vld [tilespmem:s9+$0x1DA30]  }
0x27f: {  	v15 =	vld [tilespmem:s9+$0x1DE30]  }
0x280: {  	v16 =	vld [tilespmem:s9+$0x1E230]  }
0x281: {  	v12 =	vmul.f32 v12, v9;
	[tilespmem:s20+$0x1F2B0] =	vst.add.f32.msk $0xffff, v10  }
.Ltmp47:
0x282: {  	v10 =	vmul.f32 v13, v9;
	[tilespmem:s20+$0x1F6B0] =	vst.add.f32.msk $0xffff, v11;
	s20 =	smov.u32 s9;
	(pc) =	sbr.rel @!p3 .LBB2_74-.Ltmp47, $4  }
0x283: {  	v11 =	vmul.f32 v14, v9;
	[tilespmem:s20+$0x1FAB0] =	vst.add.f32.msk $0xffff, v12  }
0x284: {  	[tilespmem:s20+$0x1EAB0] =	vst.add.f32.msk $0xffff, v10;
	v10 =	vmul.f32 v15, v9  }
0x285: {  	s9 =	sshra.s32 s15, $0x2;
	[tilespmem:s20+$0x1EEB0] =	vst.add.f32.msk $0xffff, v11;
	v11 =	vmul.f32 v16, v9  }
0x286: {  	s15 =	sadd.s32 $0x40, s15;
	v9 =	vld [tilespmem:s9+$0x1D1B0]  }
0x287: {  	v12 =	vld [tilespmem:s9+$0x1E630]  }
0x288: {  	v13 =	vld [tilespmem:s9+$0x1D630]  }
0x289: {  	v14 =	vld [tilespmem:s9+$0x1DA30]  }
0x28a: {  	v15 =	vld [tilespmem:s9+$0x1DE30]  }
0x28b: {  	v16 =	vld [tilespmem:s9+$0x1E230]  }
0x28c: {  	[tilespmem:s20+$0x1F2B0] =	vst.add.f32.msk $0xffff, v10;
	v12 =	vmul.f32 v12, v9  }
0x28d: {  	[tilespmem:s20+$0x1F6B0] =	vst.add.f32.msk $0xffff, v11;
	v10 =	vmul.f32 v13, v9  }
0x28e: {  	v11 =	vmul.f32 v14, v9;
	[tilespmem:s9+$0x1FAB0] =	vst.add.f32.msk $0xffff, v12  }
0x28f: {  	[tilespmem:s9+$0x1EAB0] =	vst.add.f32.msk $0xffff, v10;
	v10 =	vmul.f32 v15, v9  }
0x290: {  	[tilespmem:s9+$0x1EEB0] =	vst.add.f32.msk $0xffff, v11;
	v9 =	vmul.f32 v16, v9  }
0x291: {  	[tilespmem:s9+$0x1F2B0] =	vst.add.f32.msk $0xffff, v10  }
0x292: {  	[tilespmem:s9+$0x1F6B0] =	vst.add.f32.msk $0xffff, v9  }
0x293: {  	p1 =	seq.s32 s19, $0x20  }
.Ltmp48:
0x294: {  	_ = 	snop;
	(pc) =	sbr.rel @!p1 .LBB2_21-.Ltmp48, $4  }
.Ltmp49:
0x295: {  	_ = 	snop;
	(pc) =	sbr.rel @p1 .LBB2_76-.Ltmp49, $4  }
0x296: {  	_ = 	snop  }
0x297: {  	_ = 	snop  }
0x298: {  	_ = 	snop  }
0x299: {  	_ = 	snop  }
.LBB2_29:
.Ltmp50:
0x29a: {  	(pc) =	sbr.rel .LBB2_33-.Ltmp50, $2  }
0x29b: {  	_ =	sdelay $0x2  }
0x29c: {  	s15 =	simm.s32 $0x189B0  }
.LBB2_42:
.Ltmp51:
0x29d: {  	(pc) =	sbr.rel .LBB2_46-.Ltmp51, $2  }
0x29e: {  	_ =	sdelay $0x2  }
0x29f: {  	s15 =	simm.s32 $0x189B0  }
.LBB2_55:
.Ltmp52:
0x2a0: {  	(pc) =	sbr.rel .LBB2_59-.Ltmp52, $2  }
0x2a1: {  	_ =	sdelay $0x2  }
0x2a2: {  	s15 =	simm.s32 $0x189B0  }
.LBB2_68:
.Ltmp53:
0x2a3: {  	(pc) =	sbr.rel .LBB2_72-.Ltmp53, $2  }
0x2a4: {  	_ =	sdelay $0x2  }
0x2a5: {  	s15 =	simm.s32 $0x189B0  }
.LBB2_31:
.Ltmp54:
0x2a6: {  	(pc) =	sbr.rel .LBB2_33-.Ltmp54, $2  }
0x2a7: {  	_ =	sdelay $0x2  }
0x2a8: {  	s15 =	simm.s32 $0x189B0  }
.LBB2_44:
.Ltmp55:
0x2a9: {  	(pc) =	sbr.rel .LBB2_46-.Ltmp55, $2  }
0x2aa: {  	_ =	sdelay $0x2  }
0x2ab: {  	s15 =	simm.s32 $0x189B0  }
.LBB2_57:
.Ltmp56:
0x2ac: {  	(pc) =	sbr.rel .LBB2_59-.Ltmp56, $2  }
0x2ad: {  	_ =	sdelay $0x2  }
0x2ae: {  	s15 =	simm.s32 $0x189B0  }
.LBB2_70:
.Ltmp57:
0x2af: {  	(pc) =	sbr.rel .LBB2_72-.Ltmp57, $2  }
0x2b0: {  	_ =	sdelay $0x2  }
0x2b1: {  	s15 =	simm.s32 $0x189B0  }
.LBB2_77:
0x2b2: {  	_ =	sfence.sel $0x180000  }
0x2b3: {  	[bflag:$0x0] =	sbarrier.arrive $0xFFFF  }
0x2b4: {  	_ =	strace $0x90000047  }
0x2b5: {  	[bflag:$0x2] =	sbarrier.arrive $0xFFFF  }
0x2b6: {  	s0 =	rddreg [dreg:$0x8]  }
0x2b7: {  	s0 =	sadd.s32 @!p0 $0x100000, s0  }
0x2b8: {  	[sflag:s0] =	ssyncadd.tile.s32 @!p0 $0x1;
	_ =	shalt  }
.Lfunc_end2:
_tile_overlayer_lowered:
.L_overlay_start_2:
0x2b9: {  	(tag) =	ssettag $0x2  }
0x2ba: {  	s0 =	rddreg [dreg:$0x0];
	s2 =	stileid.u32  }
0x2bb: {  	s1 =	rddreg [dreg:$0x1];
	p0 =	sne.s32 s2, $0x0  }
0x2bc: {  	s3 =	rddreg [dreg:$0x2];
	[bflag:$0x3] =	sbarrier.arrive $0xFFFF;
	s2 =	simm.s32 @!p0 $0x1C06  }
0x2bd: {  	[timem:s3], [sflag:s2] =	dma.local @!p0 [hbm:s0], s1  }
0x2be: {  	s0 =	simm.s32 @!p0 $0x6  }
0x2bf: {  	_ =	swait.ge @!p0 [sflag:s0], s1  }
0x2c0: {  	s1 =	ssub.s32 @!p0 $0x0, s1;
	[sflag:s0] =	ssyncset.done @!p0 $0x0  }
0x2c1: {  	[sflag:s0] =	ssyncadd.s32 @!p0 s1  }
0x2c2: {  	[bflag:$0x3] =	sbarrier.arrive $0xFFFF  }
0x2c3: {  	_ =	shalt  }

</sc_bundles>
